<compile_context>
chip_gen: v7x
topology: tpu7x:2x2x1
jax: 0.10.2.dev20260603
libtpu: 0.0.44.dev20260713+nightly
codegen_flags: <defaults>
</compile_context>

<pallas_src>
import functools

import jax
import jax.numpy as jnp
from jax import lax
from jax.experimental import pallas as pl
from jax.experimental.pallas import tpu as pltpu
from jax.experimental.pallas import tpu_sc as plsc

N = 10000
E = 320000
F_IN = 128
H = 64
HH = H // 2
L = 3
G = 64
C = 2
BN_EPS = 1e-5

NSUB = 16
EPT = E // NSUB
CH = 128
NCH = -(-EPT // CH)
EPT_PAD = NCH * CH
ACC_ROWS = 10240
RPT = ACC_ROWS // NSUB


def _sc_agg_body(pa_hbm, pb_hbm, src_hbm, dst_hbm, z_hbm, out_hbm,
                 src_v, dst_v, rows_v, stage_v, p_sh, acc_sh, sem):
    c = lax.axis_index("c")
    s = lax.axis_index("s")

    pltpu.sync_copy(src_hbm.at[s], src_v)
    pltpu.sync_copy(dst_hbm.at[s], dst_v)
    pltpu.sync_copy(z_hbm, acc_sh.at[pl.ds(s * RPT, RPT)])

    for cc, p_hbm in ((0, pa_hbm), (1, pb_hbm)):
        @pl.when((c == cc) & (s < 15))
        def _():
            pltpu.sync_copy(p_hbm.at[pl.ds(s * RPT, RPT)],
                            p_sh.at[pl.ds(s * RPT, RPT)])

        @pl.when((c == cc) & (s == 15))
        def _():
            pltpu.sync_copy(p_hbm.at[pl.ds(15 * RPT, N - 15 * RPT)],
                            p_sh.at[pl.ds(15 * RPT, N - 15 * RPT)])

    plsc.subcore_barrier()

    def chunk(j, _):
        pltpu.sync_copy(p_sh.at[src_v.at[j]], rows_v)
        pltpu.sync_copy(rows_v, acc_sh.at[dst_v.at[j]], add=True)
        return 0

    lax.fori_loop(0, NCH, chunk, 0)
    plsc.subcore_barrier()

    pltpu.sync_copy(acc_sh.at[pl.ds(s * RPT, RPT)], stage_v)
    pltpu.sync_copy(stage_v, out_hbm.at[c, pl.ds(s * RPT, RPT)])


_sc_agg = functools.partial(
    pl.kernel,
    out_type=jax.ShapeDtypeStruct((2, ACC_ROWS, HH), jnp.float32),
    mesh=plsc.VectorSubcoreMesh(core_axis_name="c", subcore_axis_name="s"),
    compiler_params=pltpu.CompilerParams(use_tc_tiling_on_sc=False),
    scratch_types=[
        pltpu.VMEM((NCH, CH), jnp.int32),
        pltpu.VMEM((NCH, CH), jnp.int32),
        pltpu.VMEM((CH, HH), jnp.float32),
        pltpu.VMEM((RPT, HH), jnp.float32),
        pltpu.VMEM_SHARED((N, HH), jnp.float32),
        pltpu.VMEM_SHARED((ACC_ROWS, HH), jnp.float32),
        pltpu.SemaphoreType.DMA,
    ],
)(_sc_agg_body)


ROW_BLK = 1000
NBLK = N // ROW_BLK


def _proj_body(x_ref, wa_ref, wb_ref, oa_ref, ob_ref):
    x = x_ref[...]
    oa_ref[...] = jnp.dot(x, wa_ref[...], preferred_element_type=jnp.float32)
    ob_ref[...] = jnp.dot(x, wb_ref[...], preferred_element_type=jnp.float32)


def _proj(x, wa, wb):
    fin = x.shape[1]
    return pl.pallas_call(
        _proj_body,
        grid=(NBLK,),
        in_specs=[pl.BlockSpec((ROW_BLK, fin), lambda i: (i, 0)),
                  pl.BlockSpec((fin, HH), lambda i: (0, 0)),
                  pl.BlockSpec((fin, HH), lambda i: (0, 0))],
        out_specs=[pl.BlockSpec((ROW_BLK, HH), lambda i: (i, 0)),
                   pl.BlockSpec((ROW_BLK, HH), lambda i: (i, 0))],
        out_shape=[jax.ShapeDtypeStruct((N, HH), jnp.float32),
                   jax.ShapeDtypeStruct((N, HH), jnp.float32)],
    )(x, wa, wb)


def _tail_body(has_next, pa_ref, pb_ref, a_ref, vec_ref, w2_ref,
               wna_ref, wnb_ref, batch_ref, *out_refs):
    c1 = vec_ref[0, :]
    e1 = vec_ref[1, :]
    c2 = vec_ref[2, :]
    e2 = vec_ref[3, :]
    m = jnp.concatenate([pa_ref[...] + a_ref[0], pb_ref[...] + a_ref[1]],
                        axis=1)
    u = jnp.maximum(m * c1 + e1, 0.0)
    v = jnp.dot(u, w2_ref[...], preferred_element_type=jnp.float32)
    h = jnp.maximum(v * c2 + e2, 0.0)
    if has_next:
        pna_ref, pnb_ref, pool_ref = out_refs
        pna_ref[...] = jnp.dot(h, wna_ref[...],
                               preferred_element_type=jnp.float32)
        pnb_ref[...] = jnp.dot(h, wnb_ref[...],
                               preferred_element_type=jnp.float32)
    else:
        (pool_ref,) = out_refs
    b = batch_ref[0, 0, :]
    onehot = (lax.broadcasted_iota(jnp.int32, (G, ROW_BLK), 0)
              == b[None, :]).astype(jnp.float32)
    seg = jnp.dot(onehot, h, preferred_element_type=jnp.float32)

    @pl.when(pl.program_id(0) == 0)
    def _():
        pool_ref[...] = jnp.zeros_like(pool_ref)

    pool_ref[...] += seg


def _tail(pa, pb, agg, vecs, w2, wna, wnb, batch):
    has_next = wna is not None
    out_shape = [jax.ShapeDtypeStruct((G, H), jnp.float32)]
    out_specs = [pl.BlockSpec((G, H), lambda i: (0, 0))]
    if has_next:
        out_shape = [jax.ShapeDtypeStruct((N, HH), jnp.float32)] * 2 \
            + out_shape
        out_specs = [pl.BlockSpec((ROW_BLK, HH), lambda i: (i, 0))] * 2 \
            + out_specs
    else:
        wna = wnb = jnp.zeros((H, HH), jnp.float32)
    res = pl.pallas_call(
        functools.partial(_tail_body, has_next),
        grid=(NBLK,),
        in_specs=[
            pl.BlockSpec((ROW_BLK, HH), lambda i: (i, 0)),
            pl.BlockSpec((ROW_BLK, HH), lambda i: (i, 0)),
            pl.BlockSpec((2, ROW_BLK, HH), lambda i: (0, i, 0)),
            pl.BlockSpec((8, H), lambda i: (0, 0)),
            pl.BlockSpec((H, H), lambda i: (0, 0)),
            pl.BlockSpec((H, HH), lambda i: (0, 0)),
            pl.BlockSpec((H, HH), lambda i: (0, 0)),
            pl.BlockSpec((1, 1, ROW_BLK), lambda i: (i, 0, 0)),
        ],
        out_specs=out_specs,
        out_shape=out_shape,
    )(pa, pb, agg, vecs, w2, wna, wnb, batch.reshape(NBLK, 1, ROW_BLK))
    if has_next:
        return res[0], res[1], res[2]
    return None, None, res[0]


def _cls_body(p0_ref, p1_ref, p2_ref, wa_ref, wb_ref, wc_ref, b1_ref,
              w2_ref, b2_ref, o_ref):
    z = (jnp.dot(p0_ref[...], wa_ref[...], preferred_element_type=jnp.float32)
         + jnp.dot(p1_ref[...], wb_ref[...],
                   preferred_element_type=jnp.float32)
         + jnp.dot(p2_ref[...], wc_ref[...],
                   preferred_element_type=jnp.float32))
    z = jnp.maximum(z + b1_ref[...], 0.0)
    o_ref[...] = jnp.dot(z, w2_ref[...],
                         preferred_element_type=jnp.float32) + b2_ref[...]


def _classifier(p0, p1, p2, wa, wb, wc, b1, w2, b2):
    return pl.pallas_call(
        _cls_body,
        out_shape=jax.ShapeDtypeStruct((G, C), jnp.float32),
    )(p0, p1, p2, wa, wb, wc, b1, w2, b2)


def kernel(x, edge_index, batch, mlp_W1, mlp_b1, mlp_g1, mlp_be1, mlp_W2,
           mlp_b2, bn_g, bn_b, cls_W1, cls_b1, cls_W2, cls_b2):
    src = edge_index[0]
    dst = edge_index[1]
    pad = EPT_PAD - EPT
    src_t = jnp.pad(src.reshape(NSUB, EPT), ((0, 0), (0, pad))) \
        .reshape(NSUB, NCH, CH)
    dst_t = jnp.pad(dst.reshape(NSUB, EPT), ((0, 0), (0, pad)),
                    constant_values=N).reshape(NSUB, NCH, CH)
    zeros = jnp.zeros((RPT, HH), jnp.float32)

    s0 = 1.0 / jnp.sqrt(jnp.float32(1.0 + BN_EPS))
    pooled = []
    pa, pb = _proj(x, mlp_W1[0][:, :HH], mlp_W1[0][:, HH:])
    for i in range(L):
        c1 = mlp_g1[i] * s0
        e1 = mlp_b1[i] * c1 + mlp_be1[i]
        c2 = bn_g[i] * s0
        e2 = mlp_b2[i] * c2 + bn_b[i]
        vecs = jnp.zeros((8, H), jnp.float32)
        vecs = vecs.at[0].set(c1).at[1].set(e1).at[2].set(c2).at[3].set(e2)
        agg = _sc_agg(pa, pb, src_t, dst_t, zeros)
        if i + 1 < L:
            wna, wnb = mlp_W1[i + 1][:, :HH], mlp_W1[i + 1][:, HH:]
        else:
            wna = wnb = None
        pa, pb, pool = _tail(pa, pb, agg, vecs, mlp_W2[i], wna, wnb, batch)
        pooled.append(pool)

    return _classifier(pooled[0], pooled[1], pooled[2],
                       cls_W1[0:H], cls_W1[H:2 * H], cls_W1[2 * H:3 * H],
                       cls_b1.reshape(1, H), cls_W2, cls_b2.reshape(1, C))

# --- scband reference (transcript-rebuilt; emitter-appended) ---
"""Pipeline reference for scband-gin-42795054137779 (READ-ONLY COPY).

The authoritative reference and input builder live on the scoring server;
editing this copy changes nothing except your own understanding.
"""

import jax, jax.numpy as jnp
import numpy as np

N = 10000
E = 320000
F_IN = 128
H = 64
L = 3
G = 64
C = 2
BN_EPS = 1e-5


def setup_inputs(seed: int = 0):
    key = jax.random.key(seed)
    ks = jax.random.split(key, 40)
    x = jax.random.normal(ks[0], (N, F_IN), dtype=jnp.float32)
    edge_index = jax.random.randint(ks[1], (2, E), 0, N, dtype=jnp.int32)
    batch = jnp.sort(jax.random.randint(ks[2], (N,), 0, G, dtype=jnp.int32))
    mlp_W1, mlp_b1, mlp_g1, mlp_be1, mlp_W2, mlp_b2, bn_g, bn_b = [], [], [], [], [], [], [], []
    k = 3
    for i in range(L):
        in_dim = F_IN if i == 0 else H
        mlp_W1.append(jax.random.normal(ks[k], (in_dim, H), dtype=jnp.float32) * (1.0 / np.sqrt(in_dim))); k += 1
        mlp_b1.append(jnp.zeros((H,), dtype=jnp.float32))
        mlp_g1.append(jnp.ones((H,), dtype=jnp.float32))
        mlp_be1.append(jnp.zeros((H,), dtype=jnp.float32))
        mlp_W2.append(jax.random.normal(ks[k], (H, H), dtype=jnp.float32) * (1.0 / np.sqrt(H))); k += 1
        mlp_b2.append(jnp.zeros((H,), dtype=jnp.float32))
        bn_g.append(jnp.ones((H,), dtype=jnp.float32))
        bn_b.append(jnp.zeros((H,), dtype=jnp.float32))
    cls_W1 = jax.random.normal(ks[k], (H * L, H), dtype=jnp.float32) * (1.0 / np.sqrt(H * L)); k += 1
    cls_b1 = jnp.zeros((H,), dtype=jnp.float32)
    cls_W2 = jax.random.normal(ks[k], (H, C), dtype=jnp.float32) * (1.0 / np.sqrt(H)); k += 1
    cls_b2 = jnp.zeros((C,), dtype=jnp.float32)
    return {"x": x, "edge_index": edge_index, "batch": batch,
            "mlp_W1": mlp_W1, "mlp_b1": mlp_b1, "mlp_g1": mlp_g1, "mlp_be1": mlp_be1,
            "mlp_W2": mlp_W2, "mlp_b2": mlp_b2, "bn_g": bn_g, "bn_b": bn_b,
            "cls_W1": cls_W1, "cls_b1": cls_b1, "cls_W2": cls_W2, "cls_b2": cls_b2}


def _bn_eval(h, g, b):
    # BatchNorm1d in eval mode with running_mean=0, running_var=1
    return h / jnp.sqrt(1.0 + BN_EPS) * g + b


def reference(x, edge_index, batch, mlp_W1, mlp_b1, mlp_g1, mlp_be1, mlp_W2, mlp_b2, bn_g, bn_b, cls_W1, cls_b1, cls_W2, cls_b2):
    src = edge_index[0]
    dst = edge_index[1]
    h = x
    pooled = []
    for i in range(L):
        # GINConv with eps=0: MLP(x + sum_{j in N(i)} x_j)
        agg = jnp.zeros_like(h).at[dst].add(h[src])
        m = h + agg
        m = m @ mlp_W1[i] + mlp_b1[i]
        m = _bn_eval(m, mlp_g1[i], mlp_be1[i])
        m = jax.nn.relu(m)
        m = m @ mlp_W2[i] + mlp_b2[i]
        h = _bn_eval(m, bn_g[i], bn_b[i])
        h = jax.nn.relu(h)
        # dropout is identity in eval mode
        pooled.append(jax.ops.segment_sum(h, batch, num_segments=G))
    z = jnp.concatenate(pooled, axis=1)
    z = jax.nn.relu(z @ cls_W1 + cls_b1)
    z = z @ cls_W2 + cls_b2
    return z

if __name__ == "__main__":
    import jax
    _d = setup_inputs()
    print(jax.jit(kernel)(*tuple(_d.values())))

</pallas_src>

<mosaic_0001>
#map = affine_map<(d0, d1) -> (0, 0)>
#map1 = affine_map<(d0, d1) -> (0, 0, 0)>
module attributes {stable_mosaic.version = 14 : i64} {
  func.func @_sc_agg_body(%arg0: i32, %arg1: i32, %arg2: memref<10000x32xf32, #tpu.memory_space<hbm>>, %arg3: memref<10000x32xf32, #tpu.memory_space<hbm>>, %arg4: memref<16x157x128xi32, #tpu.memory_space<hbm>>, %arg5: memref<16x157x128xi32, #tpu.memory_space<hbm>>, %arg6: memref<640x32xf32, #tpu.memory_space<hbm>>, %arg7: memref<2x10240x32xf32, #tpu.memory_space<hbm>>, %arg8: memref<157x128xi32, #tpu.memory_space<vmem>>, %arg9: memref<157x128xi32, #tpu.memory_space<vmem>>, %arg10: memref<128x32xf32, #tpu.memory_space<vmem>>, %arg11: memref<640x32xf32, #tpu.memory_space<vmem>>, %arg12: memref<10000x32xf32, #tpu.memory_space<vmem_shared>>, %arg13: memref<10240x32xf32, #tpu.memory_space<vmem_shared>>, %arg14: memref<!tpu.dma_semaphore, #tpu.memory_space<semaphore_mem>>) attributes {dimension_semantics = [#tpu.dimension_semantics<core_parallel>, #tpu.dimension_semantics<subcore_parallel>], iteration_bounds = array<i64: 2, 16>, scalar_prefetch = 0 : i64, scratch_operands = 7 : i64, tpu.core_type = #tpu.core_type<sc_vector_subcore>, window_params = [{transform_indices = #map}, {transform_indices = #map}, {transform_indices = #map1}, {transform_indices = #map1}, {transform_indices = #map}, {transform_indices = #map1}]} {
    "tpu.region"() ({
      %run_scoped3A = tpu.sem_alloc : memref<!tpu.dma_semaphore, #tpu.memory_space<semaphore_mem>>
      %dma_start3A = arith.constant 0 : i32
      %dma_start3A_39 = arith.constant 0 : i32
      %dma_start3A_40 = tpu.memref_slice %arg4[%arg1, %dma_start3A, %dma_start3A_39] : memref<16x157x128xi32, #tpu.memory_space<hbm>> -> memref<1x157x128xi32, #tpu.memory_space<hbm>>
      %dma_start3A_41 = tpu.memref_squeeze %dma_start3A_40 : memref<1x157x128xi32, #tpu.memory_space<hbm>> -> memref<157x128xi32, #tpu.memory_space<hbm>>
      %dma_start3A_42 = arith.constant 0 : i32
      %dma_start3A_43 = arith.constant 0 : i32
      %dma_start3A_44 = tpu.memref_slice %arg4[%arg1, %dma_start3A_42, %dma_start3A_43] : memref<16x157x128xi32, #tpu.memory_space<hbm>> -> memref<1x157x128xi32, #tpu.memory_space<hbm>>
      %dma_start3A_45 = tpu.memref_squeeze %dma_start3A_44 : memref<1x157x128xi32, #tpu.memory_space<hbm>> -> memref<157x128xi32, #tpu.memory_space<hbm>>
      tpu.enqueue_dma source(%dma_start3A_45 : memref<157x128xi32, #tpu.memory_space<hbm>>) target(%arg8 : memref<157x128xi32, #tpu.memory_space<vmem>>) target_semaphore(%run_scoped3A : memref<!tpu.dma_semaphore, #tpu.memory_space<semaphore_mem>>)
      %dma_wait3A = arith.constant 0 : i32
      %dma_wait3A_46 = arith.constant 0 : i32
      %dma_wait3A_47 = tpu.memref_slice %arg4[%arg1, %dma_wait3A, %dma_wait3A_46] : memref<16x157x128xi32, #tpu.memory_space<hbm>> -> memref<1x157x128xi32, #tpu.memory_space<hbm>>
      %dma_wait3A_48 = tpu.memref_squeeze %dma_wait3A_47 : memref<1x157x128xi32, #tpu.memory_space<hbm>> -> memref<157x128xi32, #tpu.memory_space<hbm>>
      %dma_wait3A_49 = arith.constant 0 : i32
      %dma_wait3A_50 = arith.constant 0 : i32
      %dma_wait3A_51 = tpu.memref_slice %arg4[%arg1, %dma_wait3A_49, %dma_wait3A_50] : memref<16x157x128xi32, #tpu.memory_space<hbm>> -> memref<1x157x128xi32, #tpu.memory_space<hbm>>
      %dma_wait3A_52 = tpu.memref_squeeze %dma_wait3A_51 : memref<1x157x128xi32, #tpu.memory_space<hbm>> -> memref<157x128xi32, #tpu.memory_space<hbm>>
      tpu.wait_dma2 semaphore(%run_scoped3A : memref<!tpu.dma_semaphore, #tpu.memory_space<semaphore_mem>>) src(%dma_wait3A_52 : memref<157x128xi32, #tpu.memory_space<hbm>>) dst(%arg8 : memref<157x128xi32, #tpu.memory_space<vmem>>)
      tpu.yield
    }) : () -> ()
    "tpu.region"() ({
      %run_scoped3A = tpu.sem_alloc : memref<!tpu.dma_semaphore, #tpu.memory_space<semaphore_mem>>
      %dma_start3A = arith.constant 0 : i32
      %dma_start3A_39 = arith.constant 0 : i32
      %dma_start3A_40 = tpu.memref_slice %arg5[%arg1, %dma_start3A, %dma_start3A_39] : memref<16x157x128xi32, #tpu.memory_space<hbm>> -> memref<1x157x128xi32, #tpu.memory_space<hbm>>
      %dma_start3A_41 = tpu.memref_squeeze %dma_start3A_40 : memref<1x157x128xi32, #tpu.memory_space<hbm>> -> memref<157x128xi32, #tpu.memory_space<hbm>>
      %dma_start3A_42 = arith.constant 0 : i32
      %dma_start3A_43 = arith.constant 0 : i32
      %dma_start3A_44 = tpu.memref_slice %arg5[%arg1, %dma_start3A_42, %dma_start3A_43] : memref<16x157x128xi32, #tpu.memory_space<hbm>> -> memref<1x157x128xi32, #tpu.memory_space<hbm>>
      %dma_start3A_45 = tpu.memref_squeeze %dma_start3A_44 : memref<1x157x128xi32, #tpu.memory_space<hbm>> -> memref<157x128xi32, #tpu.memory_space<hbm>>
      tpu.enqueue_dma source(%dma_start3A_45 : memref<157x128xi32, #tpu.memory_space<hbm>>) target(%arg9 : memref<157x128xi32, #tpu.memory_space<vmem>>) target_semaphore(%run_scoped3A : memref<!tpu.dma_semaphore, #tpu.memory_space<semaphore_mem>>)
      %dma_wait3A = arith.constant 0 : i32
      %dma_wait3A_46 = arith.constant 0 : i32
      %dma_wait3A_47 = tpu.memref_slice %arg5[%arg1, %dma_wait3A, %dma_wait3A_46] : memref<16x157x128xi32, #tpu.memory_space<hbm>> -> memref<1x157x128xi32, #tpu.memory_space<hbm>>
      %dma_wait3A_48 = tpu.memref_squeeze %dma_wait3A_47 : memref<1x157x128xi32, #tpu.memory_space<hbm>> -> memref<157x128xi32, #tpu.memory_space<hbm>>
      %dma_wait3A_49 = arith.constant 0 : i32
      %dma_wait3A_50 = arith.constant 0 : i32
      %dma_wait3A_51 = tpu.memref_slice %arg5[%arg1, %dma_wait3A_49, %dma_wait3A_50] : memref<16x157x128xi32, #tpu.memory_space<hbm>> -> memref<1x157x128xi32, #tpu.memory_space<hbm>>
      %dma_wait3A_52 = tpu.memref_squeeze %dma_wait3A_51 : memref<1x157x128xi32, #tpu.memory_space<hbm>> -> memref<157x128xi32, #tpu.memory_space<hbm>>
      tpu.wait_dma2 semaphore(%run_scoped3A : memref<!tpu.dma_semaphore, #tpu.memory_space<semaphore_mem>>) src(%dma_wait3A_52 : memref<157x128xi32, #tpu.memory_space<hbm>>) dst(%arg9 : memref<157x128xi32, #tpu.memory_space<vmem>>)
      tpu.yield
    }) : () -> ()
    %mul3A = arith.constant 640 : i32
    %mul3A_0 = arith.muli %arg1, %mul3A : i32
    "tpu.region"() ({
      %run_scoped3A = tpu.sem_alloc : memref<!tpu.dma_semaphore, #tpu.memory_space<semaphore_mem>>
      %dma_start3A = arith.constant 0 : i32
      %dma_start3A_39 = tpu.memref_slice %arg13[%mul3A_0, %dma_start3A] : memref<10240x32xf32, #tpu.memory_space<vmem_shared>> -> memref<640x32xf32, #tpu.memory_space<vmem_shared>>
      tpu.enqueue_dma source(%arg6 : memref<640x32xf32, #tpu.memory_space<hbm>>) target(%dma_start3A_39 : memref<640x32xf32, #tpu.memory_space<vmem_shared>>) target_semaphore(%run_scoped3A : memref<!tpu.dma_semaphore, #tpu.memory_space<semaphore_mem>>)
      %dma_wait3A = arith.constant 0 : i32
      %dma_wait3A_40 = tpu.memref_slice %arg13[%mul3A_0, %dma_wait3A] : memref<10240x32xf32, #tpu.memory_space<vmem_shared>> -> memref<640x32xf32, #tpu.memory_space<vmem_shared>>
      tpu.wait_dma2 semaphore(%run_scoped3A : memref<!tpu.dma_semaphore, #tpu.memory_space<semaphore_mem>>) src(%arg6 : memref<640x32xf32, #tpu.memory_space<hbm>>) dst(%dma_wait3A_40 : memref<640x32xf32, #tpu.memory_space<vmem_shared>>)
      tpu.yield
    }) : () -> ()
    %eq3A = arith.constant 0 : i32
    %eq3A_1 = arith.cmpi eq, %arg0, %eq3A : i32
    %lt3A = arith.constant 15 : i32
    %lt3A_2 = arith.cmpi slt, %arg1, %lt3A : i32
    %and3A = arith.andi %eq3A_1, %lt3A_2 : i1
    %convert_element_type3A = arith.extui %and3A : i1 to i32
    %cond3A = arith.constant 0 : i32
    %cond3A_3 = arith.cmpi ne, %convert_element_type3A, %cond3A : i32
    scf.if %cond3A_3 {
      %mul3A_39 = arith.constant 640 : i32
      %mul3A_40 = arith.muli %arg1, %mul3A_39 : i32
      %mul3A_41 = arith.constant 640 : i32
      %mul3A_42 = arith.muli %arg1, %mul3A_41 : i32
      "tpu.region"() ({
        %run_scoped3A = tpu.sem_alloc : memref<!tpu.dma_semaphore, #tpu.memory_space<semaphore_mem>>
        %dma_start3A = arith.constant 0 : i32
        %dma_start3A_43 = tpu.memref_slice %arg12[%mul3A_42, %dma_start3A] : memref<10000x32xf32, #tpu.memory_space<vmem_shared>> -> memref<640x32xf32, #tpu.memory_space<vmem_shared>>
        %dma_start3A_44 = arith.constant 0 : i32
        %dma_start3A_45 = tpu.memref_slice %arg2[%mul3A_40, %dma_start3A_44] : memref<10000x32xf32, #tpu.memory_space<hbm>> -> memref<640x32xf32, #tpu.memory_space<hbm>>
        tpu.enqueue_dma source(%dma_start3A_45 : memref<640x32xf32, #tpu.memory_space<hbm>>) target(%dma_start3A_43 : memref<640x32xf32, #tpu.memory_space<vmem_shared>>) target_semaphore(%run_scoped3A : memref<!tpu.dma_semaphore, #tpu.memory_space<semaphore_mem>>)
        %dma_wait3A = arith.constant 0 : i32
        %dma_wait3A_46 = tpu.memref_slice %arg12[%mul3A_42, %dma_wait3A] : memref<10000x32xf32, #tpu.memory_space<vmem_shared>> -> memref<640x32xf32, #tpu.memory_space<vmem_shared>>
        %dma_wait3A_47 = arith.constant 0 : i32
        %dma_wait3A_48 = tpu.memref_slice %arg2[%mul3A_40, %dma_wait3A_47] : memref<10000x32xf32, #tpu.memory_space<hbm>> -> memref<640x32xf32, #tpu.memory_space<hbm>>
        tpu.wait_dma2 semaphore(%run_scoped3A : memref<!tpu.dma_semaphore, #tpu.memory_space<semaphore_mem>>) src(%dma_wait3A_48 : memref<640x32xf32, #tpu.memory_space<hbm>>) dst(%dma_wait3A_46 : memref<640x32xf32, #tpu.memory_space<vmem_shared>>)
        tpu.yield
      }) : () -> ()
    } else {
    }
    %eq3A_4 = arith.constant 0 : i32
    %eq3A_5 = arith.cmpi eq, %arg0, %eq3A_4 : i32
    %eq3A_6 = arith.constant 15 : i32
    %eq3A_7 = arith.cmpi eq, %arg1, %eq3A_6 : i32
    %and3A_8 = arith.andi %eq3A_5, %eq3A_7 : i1
    %convert_element_type3A_9 = arith.extui %and3A_8 : i1 to i32
    %cond3A_10 = arith.constant 0 : i32
    %cond3A_11 = arith.cmpi ne, %convert_element_type3A_9, %cond3A_10 : i32
    scf.if %cond3A_11 {
      "tpu.region"() ({
        %run_scoped3A = tpu.sem_alloc : memref<!tpu.dma_semaphore, #tpu.memory_space<semaphore_mem>>
        %dma_start3A = arith.constant 9600 : i32
        %dma_start3A_39 = arith.constant 0 : i32
        %dma_start3A_40 = tpu.memref_slice %arg12[%dma_start3A, %dma_start3A_39] : memref<10000x32xf32, #tpu.memory_space<vmem_shared>> -> memref<400x32xf32, #tpu.memory_space<vmem_shared>>
        %dma_start3A_41 = arith.constant 9600 : i32
        %dma_start3A_42 = arith.constant 0 : i32
        %dma_start3A_43 = tpu.memref_slice %arg2[%dma_start3A_41, %dma_start3A_42] : memref<10000x32xf32, #tpu.memory_space<hbm>> -> memref<400x32xf32, #tpu.memory_space<hbm>>
        tpu.enqueue_dma source(%dma_start3A_43 : memref<400x32xf32, #tpu.memory_space<hbm>>) target(%dma_start3A_40 : memref<400x32xf32, #tpu.memory_space<vmem_shared>>) target_semaphore(%run_scoped3A : memref<!tpu.dma_semaphore, #tpu.memory_space<semaphore_mem>>)
        %dma_wait3A = arith.constant 9600 : i32
        %dma_wait3A_44 = arith.constant 0 : i32
        %dma_wait3A_45 = tpu.memref_slice %arg12[%dma_wait3A, %dma_wait3A_44] : memref<10000x32xf32, #tpu.memory_space<vmem_shared>> -> memref<400x32xf32, #tpu.memory_space<vmem_shared>>
        %dma_wait3A_46 = arith.constant 9600 : i32
        %dma_wait3A_47 = arith.constant 0 : i32
        %dma_wait3A_48 = tpu.memref_slice %arg2[%dma_wait3A_46, %dma_wait3A_47] : memref<10000x32xf32, #tpu.memory_space<hbm>> -> memref<400x32xf32, #tpu.memory_space<hbm>>
        tpu.wait_dma2 semaphore(%run_scoped3A : memref<!tpu.dma_semaphore, #tpu.memory_space<semaphore_mem>>) src(%dma_wait3A_48 : memref<400x32xf32, #tpu.memory_space<hbm>>) dst(%dma_wait3A_45 : memref<400x32xf32, #tpu.memory_space<vmem_shared>>)
        tpu.yield
      }) : () -> ()
    } else {
    }
    %eq3A_12 = arith.constant 1 : i32
    %eq3A_13 = arith.cmpi eq, %arg0, %eq3A_12 : i32
    %lt3A_14 = arith.constant 15 : i32
    %lt3A_15 = arith.cmpi slt, %arg1, %lt3A_14 : i32
    %and3A_16 = arith.andi %eq3A_13, %lt3A_15 : i1
    %convert_element_type3A_17 = arith.extui %and3A_16 : i1 to i32
    %cond3A_18 = arith.constant 0 : i32
    %cond3A_19 = arith.cmpi ne, %convert_element_type3A_17, %cond3A_18 : i32
    scf.if %cond3A_19 {
      %mul3A_39 = arith.constant 640 : i32
      %mul3A_40 = arith.muli %arg1, %mul3A_39 : i32
      %mul3A_41 = arith.constant 640 : i32
      %mul3A_42 = arith.muli %arg1, %mul3A_41 : i32
      "tpu.region"() ({
        %run_scoped3A = tpu.sem_alloc : memref<!tpu.dma_semaphore, #tpu.memory_space<semaphore_mem>>
        %dma_start3A = arith.constant 0 : i32
        %dma_start3A_43 = tpu.memref_slice %arg12[%mul3A_42, %dma_start3A] : memref<10000x32xf32, #tpu.memory_space<vmem_shared>> -> memref<640x32xf32, #tpu.memory_space<vmem_shared>>
        %dma_start3A_44 = arith.constant 0 : i32
        %dma_start3A_45 = tpu.memref_slice %arg3[%mul3A_40, %dma_start3A_44] : memref<10000x32xf32, #tpu.memory_space<hbm>> -> memref<640x32xf32, #tpu.memory_space<hbm>>
        tpu.enqueue_dma source(%dma_start3A_45 : memref<640x32xf32, #tpu.memory_space<hbm>>) target(%dma_start3A_43 : memref<640x32xf32, #tpu.memory_space<vmem_shared>>) target_semaphore(%run_scoped3A : memref<!tpu.dma_semaphore, #tpu.memory_space<semaphore_mem>>)
        %dma_wait3A = arith.constant 0 : i32
        %dma_wait3A_46 = tpu.memref_slice %arg12[%mul3A_42, %dma_wait3A] : memref<10000x32xf32, #tpu.memory_space<vmem_shared>> -> memref<640x32xf32, #tpu.memory_space<vmem_shared>>
        %dma_wait3A_47 = arith.constant 0 : i32
        %dma_wait3A_48 = tpu.memref_slice %arg3[%mul3A_40, %dma_wait3A_47] : memref<10000x32xf32, #tpu.memory_space<hbm>> -> memref<640x32xf32, #tpu.memory_space<hbm>>
        tpu.wait_dma2 semaphore(%run_scoped3A : memref<!tpu.dma_semaphore, #tpu.memory_space<semaphore_mem>>) src(%dma_wait3A_48 : memref<640x32xf32, #tpu.memory_space<hbm>>) dst(%dma_wait3A_46 : memref<640x32xf32, #tpu.memory_space<vmem_shared>>)
        tpu.yield
      }) : () -> ()
    } else {
    }
    %eq3A_20 = arith.constant 1 : i32
    %eq3A_21 = arith.cmpi eq, %arg0, %eq3A_20 : i32
    %eq3A_22 = arith.constant 15 : i32
    %eq3A_23 = arith.cmpi eq, %arg1, %eq3A_22 : i32
    %and3A_24 = arith.andi %eq3A_21, %eq3A_23 : i1
    %convert_element_type3A_25 = arith.extui %and3A_24 : i1 to i32
    %cond3A_26 = arith.constant 0 : i32
    %cond3A_27 = arith.cmpi ne, %convert_element_type3A_25, %cond3A_26 : i32
    scf.if %cond3A_27 {
      "tpu.region"() ({
        %run_scoped3A = tpu.sem_alloc : memref<!tpu.dma_semaphore, #tpu.memory_space<semaphore_mem>>
        %dma_start3A = arith.constant 9600 : i32
        %dma_start3A_39 = arith.constant 0 : i32
        %dma_start3A_40 = tpu.memref_slice %arg12[%dma_start3A, %dma_start3A_39] : memref<10000x32xf32, #tpu.memory_space<vmem_shared>> -> memref<400x32xf32, #tpu.memory_space<vmem_shared>>
        %dma_start3A_41 = arith.constant 9600 : i32
        %dma_start3A_42 = arith.constant 0 : i32
        %dma_start3A_43 = tpu.memref_slice %arg3[%dma_start3A_41, %dma_start3A_42] : memref<10000x32xf32, #tpu.memory_space<hbm>> -> memref<400x32xf32, #tpu.memory_space<hbm>>
        tpu.enqueue_dma source(%dma_start3A_43 : memref<400x32xf32, #tpu.memory_space<hbm>>) target(%dma_start3A_40 : memref<400x32xf32, #tpu.memory_space<vmem_shared>>) target_semaphore(%run_scoped3A : memref<!tpu.dma_semaphore, #tpu.memory_space<semaphore_mem>>)
        %dma_wait3A = arith.constant 9600 : i32
        %dma_wait3A_44 = arith.constant 0 : i32
        %dma_wait3A_45 = tpu.memref_slice %arg12[%dma_wait3A, %dma_wait3A_44] : memref<10000x32xf32, #tpu.memory_space<vmem_shared>> -> memref<400x32xf32, #tpu.memory_space<vmem_shared>>
        %dma_wait3A_46 = arith.constant 9600 : i32
        %dma_wait3A_47 = arith.constant 0 : i32
        %dma_wait3A_48 = tpu.memref_slice %arg3[%dma_wait3A_46, %dma_wait3A_47] : memref<10000x32xf32, #tpu.memory_space<hbm>> -> memref<400x32xf32, #tpu.memory_space<hbm>>
        tpu.wait_dma2 semaphore(%run_scoped3A : memref<!tpu.dma_semaphore, #tpu.memory_space<semaphore_mem>>) src(%dma_wait3A_48 : memref<400x32xf32, #tpu.memory_space<hbm>>) dst(%dma_wait3A_45 : memref<400x32xf32, #tpu.memory_space<vmem_shared>>)
        tpu.yield
      }) : () -> ()
    } else {
    }
    %barrier3A = arith.constant 0 : index
    tpu.barrier barrier_id(%barrier3A)
    %scan3A = arith.constant 0 : i32
    %scan3A_28 = arith.constant 0 : i32
    %scan3A_29 = arith.constant 157 : i32
    %scan3A_30 = arith.addi %scan3A_28, %scan3A_29 : i32
    %scan3A_31 = arith.constant 1 : i32
    %scan3A_32 = scf.for %scan3A_39 = %scan3A_28 to %scan3A_30 step %scan3A_31 iter_args(%scan3A_40 = %scan3A) -> (i32)  : i32 {
      "tpu.region"() ({
        %run_scoped3A = tpu.sem_alloc : memref<!tpu.dma_semaphore, #tpu.memory_space<semaphore_mem>>
        %dma_start3A = arith.constant 0 : i32
        %dma_start3A_42 = tpu.memref_slice %arg8[%scan3A_39, %dma_start3A] : memref<157x128xi32, #tpu.memory_space<vmem>> -> memref<1x128xi32, #tpu.memory_space<vmem>>
        %dma_start3A_43 = tpu.memref_squeeze %dma_start3A_42 : memref<1x128xi32, #tpu.memory_space<vmem>> -> memref<128xi32, #tpu.memory_space<vmem>>
        %dma_start3A_44 = arith.constant 0 : i32
        %dma_start3A_45 = arith.constant 0 : i32
        %dma_start3A_46 = tpu.memref_slice %arg12[%dma_start3A_44, %dma_start3A_45] : memref<10000x32xf32, #tpu.memory_space<vmem_shared>> -> memref<10000x32xf32, #tpu.memory_space<vmem_shared>>
        tpu.enqueue_indirect_dma source(%dma_start3A_46 : memref<10000x32xf32, #tpu.memory_space<vmem_shared>>) target(%arg10 : memref<128x32xf32, #tpu.memory_space<vmem>>) offsets(%dma_start3A_43 : memref<128xi32, #tpu.memory_space<vmem>>) semaphore(%run_scoped3A : memref<!tpu.dma_semaphore, #tpu.memory_space<semaphore_mem>>)
        %dma_wait3A = arith.constant 0 : i32
        %dma_wait3A_47 = tpu.memref_slice %arg8[%scan3A_39, %dma_wait3A] : memref<157x128xi32, #tpu.memory_space<vmem>> -> memref<1x128xi32, #tpu.memory_space<vmem>>
        %dma_wait3A_48 = tpu.memref_squeeze %dma_wait3A_47 : memref<1x128xi32, #tpu.memory_space<vmem>> -> memref<128xi32, #tpu.memory_space<vmem>>
        %dma_wait3A_49 = arith.constant 0 : i32
        %dma_wait3A_50 = arith.constant 0 : i32
        %dma_wait3A_51 = tpu.memref_slice %arg12[%dma_wait3A_49, %dma_wait3A_50] : memref<10000x32xf32, #tpu.memory_space<vmem_shared>> -> memref<10000x32xf32, #tpu.memory_space<vmem_shared>>
        tpu.wait_indirect_dma semaphore(%run_scoped3A : memref<!tpu.dma_semaphore, #tpu.memory_space<semaphore_mem>>) src(%dma_wait3A_51 : memref<10000x32xf32, #tpu.memory_space<vmem_shared>>) dst(%arg10 : memref<128x32xf32, #tpu.memory_space<vmem>>)
        tpu.yield
      }) : () -> ()
      "tpu.region"() ({
        %run_scoped3A = tpu.sem_alloc : memref<!tpu.dma_semaphore, #tpu.memory_space<semaphore_mem>>
        %dma_start3A = arith.constant 0 : i32
        %dma_start3A_42 = tpu.memref_slice %arg9[%scan3A_39, %dma_start3A] : memref<157x128xi32, #tpu.memory_space<vmem>> -> memref<1x128xi32, #tpu.memory_space<vmem>>
        %dma_start3A_43 = tpu.memref_squeeze %dma_start3A_42 : memref<1x128xi32, #tpu.memory_space<vmem>> -> memref<128xi32, #tpu.memory_space<vmem>>
        %dma_start3A_44 = arith.constant 0 : i32
        %dma_start3A_45 = arith.constant 0 : i32
        %dma_start3A_46 = tpu.memref_slice %arg13[%dma_start3A_44, %dma_start3A_45] : memref<10240x32xf32, #tpu.memory_space<vmem_shared>> -> memref<10240x32xf32, #tpu.memory_space<vmem_shared>>
        tpu.enqueue_indirect_dma source(%arg10 : memref<128x32xf32, #tpu.memory_space<vmem>>) target(%dma_start3A_46 : memref<10240x32xf32, #tpu.memory_space<vmem_shared>>) offsets(%dma_start3A_43 : memref<128xi32, #tpu.memory_space<vmem>>) semaphore(%run_scoped3A : memref<!tpu.dma_semaphore, #tpu.memory_space<semaphore_mem>>) {add = true}
        %dma_wait3A = arith.constant 0 : i32
        %dma_wait3A_47 = tpu.memref_slice %arg9[%scan3A_39, %dma_wait3A] : memref<157x128xi32, #tpu.memory_space<vmem>> -> memref<1x128xi32, #tpu.memory_space<vmem>>
        %dma_wait3A_48 = tpu.memref_squeeze %dma_wait3A_47 : memref<1x128xi32, #tpu.memory_space<vmem>> -> memref<128xi32, #tpu.memory_space<vmem>>
        %dma_wait3A_49 = arith.constant 0 : i32
        %dma_wait3A_50 = arith.constant 0 : i32
        %dma_wait3A_51 = tpu.memref_slice %arg13[%dma_wait3A_49, %dma_wait3A_50] : memref<10240x32xf32, #tpu.memory_space<vmem_shared>> -> memref<10240x32xf32, #tpu.memory_space<vmem_shared>>
        tpu.wait_indirect_dma semaphore(%run_scoped3A : memref<!tpu.dma_semaphore, #tpu.memory_space<semaphore_mem>>) src(%arg10 : memref<128x32xf32, #tpu.memory_space<vmem>>) dst(%dma_wait3A_51 : memref<10240x32xf32, #tpu.memory_space<vmem_shared>>)
        tpu.yield
      }) : () -> ()
      %scan3A_41 = arith.constant 0 : i32
      scf.yield %scan3A_41 : i32
    }
    %scan3A_33 = arith.constant 157 : i32
    %barrier3A_34 = arith.constant 0 : index
    tpu.barrier barrier_id(%barrier3A_34)
    %mul3A_35 = arith.constant 640 : i32
    %mul3A_36 = arith.muli %arg1, %mul3A_35 : i32
    "tpu.region"() ({
      %run_scoped3A = tpu.sem_alloc : memref<!tpu.dma_semaphore, #tpu.memory_space<semaphore_mem>>
      %dma_start3A = arith.constant 0 : i32
      %dma_start3A_39 = tpu.memref_slice %arg13[%mul3A_36, %dma_start3A] : memref<10240x32xf32, #tpu.memory_space<vmem_shared>> -> memref<640x32xf32, #tpu.memory_space<vmem_shared>>
      %dma_start3A_40 = arith.constant 0 : i32
      %dma_start3A_41 = tpu.memref_slice %arg13[%mul3A_36, %dma_start3A_40] : memref<10240x32xf32, #tpu.memory_space<vmem_shared>> -> memref<640x32xf32, #tpu.memory_space<vmem_shared>>
      tpu.enqueue_dma source(%dma_start3A_41 : memref<640x32xf32, #tpu.memory_space<vmem_shared>>) target(%arg11 : memref<640x32xf32, #tpu.memory_space<vmem>>) target_semaphore(%run_scoped3A : memref<!tpu.dma_semaphore, #tpu.memory_space<semaphore_mem>>)
      %dma_wait3A = arith.constant 0 : i32
      %dma_wait3A_42 = tpu.memref_slice %arg13[%mul3A_36, %dma_wait3A] : memref<10240x32xf32, #tpu.memory_space<vmem_shared>> -> memref<640x32xf32, #tpu.memory_space<vmem_shared>>
      %dma_wait3A_43 = arith.constant 0 : i32
      %dma_wait3A_44 = tpu.memref_slice %arg13[%mul3A_36, %dma_wait3A_43] : memref<10240x32xf32, #tpu.memory_space<vmem_shared>> -> memref<640x32xf32, #tpu.memory_space<vmem_shared>>
      tpu.wait_dma2 semaphore(%run_scoped3A : memref<!tpu.dma_semaphore, #tpu.memory_space<semaphore_mem>>) src(%dma_wait3A_44 : memref<640x32xf32, #tpu.memory_space<vmem_shared>>) dst(%arg11 : memref<640x32xf32, #tpu.memory_space<vmem>>)
      tpu.yield
    }) : () -> ()
    %mul3A_37 = arith.constant 640 : i32
    %mul3A_38 = arith.muli %arg1, %mul3A_37 : i32
    "tpu.region"() ({
      %run_scoped3A = tpu.sem_alloc : memref<!tpu.dma_semaphore, #tpu.memory_space<semaphore_mem>>
      %dma_start3A = arith.constant 0 : i32
      %dma_start3A_39 = tpu.memref_slice %arg7[%arg0, %mul3A_38, %dma_start3A] : memref<2x10240x32xf32, #tpu.memory_space<hbm>> -> memref<1x640x32xf32, #tpu.memory_space<hbm>>
      %dma_start3A_40 = tpu.memref_squeeze %dma_start3A_39 : memref<1x640x32xf32, #tpu.memory_space<hbm>> -> memref<640x32xf32, #tpu.memory_space<hbm>>
      %dma_start3A_41 = arith.constant 0 : i32
      %dma_start3A_42 = tpu.memref_slice %arg7[%arg0, %mul3A_38, %dma_start3A_41] : memref<2x10240x32xf32, #tpu.memory_space<hbm>> -> memref<1x640x32xf32, #tpu.memory_space<hbm>>
      %dma_start3A_43 = tpu.memref_squeeze %dma_start3A_42 : memref<1x640x32xf32, #tpu.memory_space<hbm>> -> memref<640x32xf32, #tpu.memory_space<hbm>>
      tpu.enqueue_dma source(%arg11 : memref<640x32xf32, #tpu.memory_space<vmem>>) target(%dma_start3A_43 : memref<640x32xf32, #tpu.memory_space<hbm>>) target_semaphore(%run_scoped3A : memref<!tpu.dma_semaphore, #tpu.memory_space<semaphore_mem>>)
      %dma_wait3A = arith.constant 0 : i32
      %dma_wait3A_44 = tpu.memref_slice %arg7[%arg0, %mul3A_38, %dma_wait3A] : memref<2x10240x32xf32, #tpu.memory_space<hbm>> -> memref<1x640x32xf32, #tpu.memory_space<hbm>>
      %dma_wait3A_45 = tpu.memref_squeeze %dma_wait3A_44 : memref<1x640x32xf32, #tpu.memory_space<hbm>> -> memref<640x32xf32, #tpu.memory_space<hbm>>
      %dma_wait3A_46 = arith.constant 0 : i32
      %dma_wait3A_47 = tpu.memref_slice %arg7[%arg0, %mul3A_38, %dma_wait3A_46] : memref<2x10240x32xf32, #tpu.memory_space<hbm>> -> memref<1x640x32xf32, #tpu.memory_space<hbm>>
      %dma_wait3A_48 = tpu.memref_squeeze %dma_wait3A_47 : memref<1x640x32xf32, #tpu.memory_space<hbm>> -> memref<640x32xf32, #tpu.memory_space<hbm>>
      tpu.wait_dma2 semaphore(%run_scoped3A : memref<!tpu.dma_semaphore, #tpu.memory_space<semaphore_mem>>) src(%arg11 : memref<640x32xf32, #tpu.memory_space<vmem>>) dst(%dma_wait3A_48 : memref<640x32xf32, #tpu.memory_space<hbm>>)
      tpu.yield
    }) : () -> ()
    return
  }
}

#map = affine_map<(d0, d1) -> (0, 0)>
#map1 = affine_map<(d0, d1) -> (0, 0, 0)>
module attributes {stable_mosaic.version = 14 : i64} {
  func.func @_sc_agg_body(%arg0: i32, %arg1: i32, %arg2: memref<10000x32xf32, #tpu.memory_space<hbm>>, %arg3: memref<10000x32xf32, #tpu.memory_space<hbm>>, %arg4: memref<16x157x128xi32, #tpu.memory_space<hbm>>, %arg5: memref<16x157x128xi32, #tpu.memory_space<hbm>>, %arg6: memref<640x32xf32, #tpu.memory_space<hbm>>, %arg7: memref<2x10240x32xf32, #tpu.memory_space<hbm>>, %arg8: memref<157x128xi32, #tpu.memory_space<vmem>>, %arg9: memref<157x128xi32, #tpu.memory_space<vmem>>, %arg10: memref<128x32xf32, #tpu.memory_space<vmem>>, %arg11: memref<640x32xf32, #tpu.memory_space<vmem>>, %arg12: memref<10000x32xf32, #tpu.memory_space<vmem_shared>>, %arg13: memref<10240x32xf32, #tpu.memory_space<vmem_shared>>, %arg14: memref<!tpu.dma_semaphore, #tpu.memory_space<semaphore_mem>>) attributes {dimension_semantics = [#tpu.dimension_semantics<core_parallel>, #tpu.dimension_semantics<subcore_parallel>], iteration_bounds = array<i64: 2, 16>, scalar_prefetch = 0 : i64, scratch_operands = 7 : i64, tpu.core_type = #tpu.core_type<sc_vector_subcore>, window_params = [{transform_indices = #map}, {transform_indices = #map}, {transform_indices = #map1}, {transform_indices = #map1}, {transform_indices = #map}, {transform_indices = #map1}]} {
    "tpu.region"() ({
      %run_scoped3A = tpu.sem_alloc : memref<!tpu.dma_semaphore, #tpu.memory_space<semaphore_mem>>
      %dma_start3A = arith.constant 0 : i32
      %dma_start3A_39 = arith.constant 0 : i32
      %dma_start3A_40 = tpu.memref_slice %arg4[%arg1, %dma_start3A, %dma_start3A_39] : memref<16x157x128xi32, #tpu.memory_space<hbm>> -> memref<1x157x128xi32, #tpu.memory_space<hbm>>
      %dma_start3A_41 = tpu.memref_squeeze %dma_start3A_40 : memref<1x157x128xi32, #tpu.memory_space<hbm>> -> memref<157x128xi32, #tpu.memory_space<hbm>>
      %dma_start3A_42 = arith.constant 0 : i32
      %dma_start3A_43 = arith.constant 0 : i32
      %dma_start3A_44 = tpu.memref_slice %arg4[%arg1, %dma_start3A_42, %dma_start3A_43] : memref<16x157x128xi32, #tpu.memory_space<hbm>> -> memref<1x157x128xi32, #tpu.memory_space<hbm>>
      %dma_start3A_45 = tpu.memref_squeeze %dma_start3A_44 : memref<1x157x128xi32, #tpu.memory_space<hbm>> -> memref<157x128xi32, #tpu.memory_space<hbm>>
      tpu.enqueue_dma source(%dma_start3A_45 : memref<157x128xi32, #tpu.memory_space<hbm>>) target(%arg8 : memref<157x128xi32, #tpu.memory_space<vmem>>) target_semaphore(%run_scoped3A : memref<!tpu.dma_semaphore, #tpu.memory_space<semaphore_mem>>)
      %dma_wait3A = arith.constant 0 : i32
      %dma_wait3A_46 = arith.constant 0 : i32
      %dma_wait3A_47 = tpu.memref_slice %arg4[%arg1, %dma_wait3A, %dma_wait3A_46] : memref<16x157x128xi32, #tpu.memory_space<hbm>> -> memref<1x157x128xi32, #tpu.memory_space<hbm>>
      %dma_wait3A_48 = tpu.memref_squeeze %dma_wait3A_47 : memref<1x157x128xi32, #tpu.memory_space<hbm>> -> memref<157x128xi32, #tpu.memory_space<hbm>>
      %dma_wait3A_49 = arith.constant 0 : i32
      %dma_wait3A_50 = arith.constant 0 : i32
      %dma_wait3A_51 = tpu.memref_slice %arg4[%arg1, %dma_wait3A_49, %dma_wait3A_50] : memref<16x157x128xi32, #tpu.memory_space<hbm>> -> memref<1x157x128xi32, #tpu.memory_space<hbm>>
      %dma_wait3A_52 = tpu.memref_squeeze %dma_wait3A_51 : memref<1x157x128xi32, #tpu.memory_space<hbm>> -> memref<157x128xi32, #tpu.memory_space<hbm>>
      tpu.wait_dma2 semaphore(%run_scoped3A : memref<!tpu.dma_semaphore, #tpu.memory_space<semaphore_mem>>) src(%dma_wait3A_52 : memref<157x128xi32, #tpu.memory_space<hbm>>) dst(%arg8 : memref<157x128xi32, #tpu.memory_space<vmem>>)
      tpu.yield
    }) : () -> ()
    "tpu.region"() ({
      %run_scoped3A = tpu.sem_alloc : memref<!tpu.dma_semaphore, #tpu.memory_space<semaphore_mem>>
      %dma_start3A = arith.constant 0 : i32
      %dma_start3A_39 = arith.constant 0 : i32
      %dma_start3A_40 = tpu.memref_slice %arg5[%arg1, %dma_start3A, %dma_start3A_39] : memref<16x157x128xi32, #tpu.memory_space<hbm>> -> memref<1x157x128xi32, #tpu.memory_space<hbm>>
      %dma_start3A_41 = tpu.memref_squeeze %dma_start3A_40 : memref<1x157x128xi32, #tpu.memory_space<hbm>> -> memref<157x128xi32, #tpu.memory_space<hbm>>
      %dma_start3A_42 = arith.constant 0 : i32
      %dma_start3A_43 = arith.constant 0 : i32
      %dma_start3A_44 = tpu.memref_slice %arg5[%arg1, %dma_start3A_42, %dma_start3A_43] : memref<16x157x128xi32, #tpu.memory_space<hbm>> -> memref<1x157x128xi32, #tpu.memory_space<hbm>>
      %dma_start3A_45 = tpu.memref_squeeze %dma_start3A_44 : memref<1x157x128xi32, #tpu.memory_space<hbm>> -> memref<157x128xi32, #tpu.memory_space<hbm>>
      tpu.enqueue_dma source(%dma_start3A_45 : memref<157x128xi32, #tpu.memory_space<hbm>>) target(%arg9 : memref<157x128xi32, #tpu.memory_space<vmem>>) target_semaphore(%run_scoped3A : memref<!tpu.dma_semaphore, #tpu.memory_space<semaphore_mem>>)
      %dma_wait3A = arith.constant 0 : i32
      %dma_wait3A_46 = arith.constant 0 : i32
      %dma_wait3A_47 = tpu.memref_slice %arg5[%arg1, %dma_wait3A, %dma_wait3A_46] : memref<16x157x128xi32, #tpu.memory_space<hbm>> -> memref<1x157x128xi32, #tpu.memory_space<hbm>>
      %dma_wait3A_48 = tpu.memref_squeeze %dma_wait3A_47 : memref<1x157x128xi32, #tpu.memory_space<hbm>> -> memref<157x128xi32, #tpu.memory_space<hbm>>
      %dma_wait3A_49 = arith.constant 0 : i32
      %dma_wait3A_50 = arith.constant 0 : i32
      %dma_wait3A_51 = tpu.memref_slice %arg5[%arg1, %dma_wait3A_49, %dma_wait3A_50] : memref<16x157x128xi32, #tpu.memory_space<hbm>> -> memref<1x157x128xi32, #tpu.memory_space<hbm>>
      %dma_wait3A_52 = tpu.memref_squeeze %dma_wait3A_51 : memref<1x157x128xi32, #tpu.memory_space<hbm>> -> memref<157x128xi32, #tpu.memory_space<hbm>>
      tpu.wait_dma2 semaphore(%run_scoped3A : memref<!tpu.dma_semaphore, #tpu.memory_space<semaphore_mem>>) src(%dma_wait3A_52 : memref<157x128xi32, #tpu.memory_space<hbm>>) dst(%arg9 : memref<157x128xi32, #tpu.memory_space<vmem>>)
      tpu.yield
    }) : () -> ()
    %mul3A = arith.constant 640 : i32
    %mul3A_0 = arith.muli %arg1, %mul3A : i32
    "tpu.region"() ({
      %run_scoped3A = tpu.sem_alloc : memref<!tpu.dma_semaphore, #tpu.memory_space<semaphore_mem>>
      %dma_start3A = arith.constant 0 : i32
      %dma_start3A_39 = tpu.memref_slice %arg13[%mul3A_0, %dma_start3A] : memref<10240x32xf32, #tpu.memory_space<vmem_shared>> -> memref<640x32xf32, #tpu.memory_space<vmem_shared>>
      tpu.enqueue_dma source(%arg6 : memref<640x32xf32, #tpu.memory_space<hbm>>) target(%dma_start3A_39 : memref<640x32xf32, #tpu.memory_space<vmem_shared>>) target_semaphore(%run_scoped3A : memref<!tpu.dma_semaphore, #tpu.memory_space<semaphore_mem>>)
      %dma_wait3A = arith.constant 0 : i32
      %dma_wait3A_40 = tpu.memref_slice %arg13[%mul3A_0, %dma_wait3A] : memref<10240x32xf32, #tpu.memory_space<vmem_shared>> -> memref<640x32xf32, #tpu.memory_space<vmem_shared>>
      tpu.wait_dma2 semaphore(%run_scoped3A : memref<!tpu.dma_semaphore, #tpu.memory_space<semaphore_mem>>) src(%arg6 : memref<640x32xf32, #tpu.memory_space<hbm>>) dst(%dma_wait3A_40 : memref<640x32xf32, #tpu.memory_space<vmem_shared>>)
      tpu.yield
    }) : () -> ()
    %eq3A = arith.constant 0 : i32
    %eq3A_1 = arith.cmpi eq, %arg0, %eq3A : i32
    %lt3A = arith.constant 15 : i32
    %lt3A_2 = arith.cmpi slt, %arg1, %lt3A : i32
    %and3A = arith.andi %eq3A_1, %lt3A_2 : i1
    %convert_element_type3A = arith.extui %and3A : i1 to i32
    %cond3A = arith.constant 0 : i32
    %cond3A_3 = arith.cmpi ne, %convert_element_type3A, %cond3A : i32
    scf.if %cond3A_3 {
      %mul3A_39 = arith.constant 640 : i32
      %mul3A_40 = arith.muli %arg1, %mul3A_39 : i32
      %mul3A_41 = arith.constant 640 : i32
      %mul3A_42 = arith.muli %arg1, %mul3A_41 : i32
      "tpu.region"() ({
        %run_scoped3A = tpu.sem_alloc : memref<!tpu.dma_semaphore, #tpu.memory_space<semaphore_mem>>
        %dma_start3A = arith.constant 0 : i32
        %dma_start3A_43 = tpu.memref_slice %arg12[%mul3A_42, %dma_start3A] : memref<10000x32xf32, #tpu.memory_space<vmem_shared>> -> memref<640x32xf32, #tpu.memory_space<vmem_shared>>
        %dma_start3A_44 = arith.constant 0 : i32
        %dma_start3A_45 = tpu.memref_slice %arg2[%mul3A_40, %dma_start3A_44] : memref<10000x32xf32, #tpu.memory_space<hbm>> -> memref<640x32xf32, #tpu.memory_space<hbm>>
        tpu.enqueue_dma source(%dma_start3A_45 : memref<640x32xf32, #tpu.memory_space<hbm>>) target(%dma_start3A_43 : memref<640x32xf32, #tpu.memory_space<vmem_shared>>) target_semaphore(%run_scoped3A : memref<!tpu.dma_semaphore, #tpu.memory_space<semaphore_mem>>)
        %dma_wait3A = arith.constant 0 : i32
        %dma_wait3A_46 = tpu.memref_slice %arg12[%mul3A_42, %dma_wait3A] : memref<10000x32xf32, #tpu.memory_space<vmem_shared>> -> memref<640x32xf32, #tpu.memory_space<vmem_shared>>
        %dma_wait3A_47 = arith.constant 0 : i32
        %dma_wait3A_48 = tpu.memref_slice %arg2[%mul3A_40, %dma_wait3A_47] : memref<10000x32xf32, #tpu.memory_space<hbm>> -> memref<640x32xf32, #tpu.memory_space<hbm>>
        tpu.wait_dma2 semaphore(%run_scoped3A : memref<!tpu.dma_semaphore, #tpu.memory_space<semaphore_mem>>) src(%dma_wait3A_48 : memref<640x32xf32, #tpu.memory_space<hbm>>) dst(%dma_wait3A_46 : memref<640x32xf32, #tpu.memory_space<vmem_shared>>)
        tpu.yield
      }) : () -> ()
    } else {
    }
    %eq3A_4 = arith.constant 0 : i32
    %eq3A_5 = arith.cmpi eq, %arg0, %eq3A_4 : i32
    %eq3A_6 = arith.constant 15 : i32
    %eq3A_7 = arith.cmpi eq, %arg1, %eq3A_6 : i32
    %and3A_8 = arith.andi %eq3A_5, %eq3A_7 : i1
    %convert_element_type3A_9 = arith.extui %and3A_8 : i1 to i32
    %cond3A_10 = arith.constant 0 : i32
    %cond3A_11 = arith.cmpi ne, %convert_element_type3A_9, %cond3A_10 : i32
    scf.if %cond3A_11 {
      "tpu.region"() ({
        %run_scoped3A = tpu.sem_alloc : memref<!tpu.dma_semaphore, #tpu.memory_space<semaphore_mem>>
        %dma_start3A = arith.constant 9600 : i32
        %dma_start3A_39 = arith.constant 0 : i32
        %dma_start3A_40 = tpu.memref_slice %arg12[%dma_start3A, %dma_start3A_39] : memref<10000x32xf32, #tpu.memory_space<vmem_shared>> -> memref<400x32xf32, #tpu.memory_space<vmem_shared>>
        %dma_start3A_41 = arith.constant 9600 : i32
        %dma_start3A_42 = arith.constant 0 : i32
        %dma_start3A_43 = tpu.memref_slice %arg2[%dma_start3A_41, %dma_start3A_42] : memref<10000x32xf32, #tpu.memory_space<hbm>> -> memref<400x32xf32, #tpu.memory_space<hbm>>
        tpu.enqueue_dma source(%dma_start3A_43 : memref<400x32xf32, #tpu.memory_space<hbm>>) target(%dma_start3A_40 : memref<400x32xf32, #tpu.memory_space<vmem_shared>>) target_semaphore(%run_scoped3A : memref<!tpu.dma_semaphore, #tpu.memory_space<semaphore_mem>>)
        %dma_wait3A = arith.constant 9600 : i32
        %dma_wait3A_44 = arith.constant 0 : i32
        %dma_wait3A_45 = tpu.memref_slice %arg12[%dma_wait3A, %dma_wait3A_44] : memref<10000x32xf32, #tpu.memory_space<vmem_shared>> -> memref<400x32xf32, #tpu.memory_space<vmem_shared>>
        %dma_wait3A_46 = arith.constant 9600 : i32
        %dma_wait3A_47 = arith.constant 0 : i32
        %dma_wait3A_48 = tpu.memref_slice %arg2[%dma_wait3A_46, %dma_wait3A_47] : memref<10000x32xf32, #tpu.memory_space<hbm>> -> memref<400x32xf32, #tpu.memory_space<hbm>>
        tpu.wait_dma2 semaphore(%run_scoped3A : memref<!tpu.dma_semaphore, #tpu.memory_space<semaphore_mem>>) src(%dma_wait3A_48 : memref<400x32xf32, #tpu.memory_space<hbm>>) dst(%dma_wait3A_45 : memref<400x32xf32, #tpu.memory_space<vmem_shared>>)
        tpu.yield
      }) : () -> ()
    } else {
    }
    %eq3A_12 = arith.constant 1 : i32
    %eq3A_13 = arith.cmpi eq, %arg0, %eq3A_12 : i32
    %lt3A_14 = arith.constant 15 : i32
    %lt3A_15 = arith.cmpi slt, %arg1, %lt3A_14 : i32
    %and3A_16 = arith.andi %eq3A_13, %lt3A_15 : i1
    %convert_element_type3A_17 = arith.extui %and3A_16 : i1 to i32
    %cond3A_18 = arith.constant 0 : i32
    %cond3A_19 = arith.cmpi ne, %convert_element_type3A_17, %cond3A_18 : i32
    scf.if %cond3A_19 {
      %mul3A_39 = arith.constant 640 : i32
      %mul3A_40 = arith.muli %arg1, %mul3A_39 : i32
      %mul3A_41 = arith.constant 640 : i32
      %mul3A_42 = arith.muli %arg1, %mul3A_41 : i32
      "tpu.region"() ({
        %run_scoped3A = tpu.sem_alloc : memref<!tpu.dma_semaphore, #tpu.memory_space<semaphore_mem>>
        %dma_start3A = arith.constant 0 : i32
        %dma_start3A_43 = tpu.memref_slice %arg12[%mul3A_42, %dma_start3A] : memref<10000x32xf32, #tpu.memory_space<vmem_shared>> -> memref<640x32xf32, #tpu.memory_space<vmem_shared>>
        %dma_start3A_44 = arith.constant 0 : i32
        %dma_start3A_45 = tpu.memref_slice %arg3[%mul3A_40, %dma_start3A_44] : memref<10000x32xf32, #tpu.memory_space<hbm>> -> memref<640x32xf32, #tpu.memory_space<hbm>>
        tpu.enqueue_dma source(%dma_start3A_45 : memref<640x32xf32, #tpu.memory_space<hbm>>) target(%dma_start3A_43 : memref<640x32xf32, #tpu.memory_space<vmem_shared>>) target_semaphore(%run_scoped3A : memref<!tpu.dma_semaphore, #tpu.memory_space<semaphore_mem>>)
        %dma_wait3A = arith.constant 0 : i32
        %dma_wait3A_46 = tpu.memref_slice %arg12[%mul3A_42, %dma_wait3A] : memref<10000x32xf32, #tpu.memory_space<vmem_shared>> -> memref<640x32xf32, #tpu.memory_space<vmem_shared>>
        %dma_wait3A_47 = arith.constant 0 : i32
        %dma_wait3A_48 = tpu.memref_slice %arg3[%mul3A_40, %dma_wait3A_47] : memref<10000x32xf32, #tpu.memory_space<hbm>> -> memref<640x32xf32, #tpu.memory_space<hbm>>
        tpu.wait_dma2 semaphore(%run_scoped3A : memref<!tpu.dma_semaphore, #tpu.memory_space<semaphore_mem>>) src(%dma_wait3A_48 : memref<640x32xf32, #tpu.memory_space<hbm>>) dst(%dma_wait3A_46 : memref<640x32xf32, #tpu.memory_space<vmem_shared>>)
        tpu.yield
      }) : () -> ()
    } else {
    }
    %eq3A_20 = arith.constant 1 : i32
    %eq3A_21 = arith.cmpi eq, %arg0, %eq3A_20 : i32
    %eq3A_22 = arith.constant 15 : i32
    %eq3A_23 = arith.cmpi eq, %arg1, %eq3A_22 : i32
    %and3A_24 = arith.andi %eq3A_21, %eq3A_23 : i1
    %convert_element_type3A_25 = arith.extui %and3A_24 : i1 to i32
    %cond3A_26 = arith.constant 0 : i32
    %cond3A_27 = arith.cmpi ne, %convert_element_type3A_25, %cond3A_26 : i32
    scf.if %cond3A_27 {
      "tpu.region"() ({
        %run_scoped3A = tpu.sem_alloc : memref<!tpu.dma_semaphore, #tpu.memory_space<semaphore_mem>>
        %dma_start3A = arith.constant 9600 : i32
        %dma_start3A_39 = arith.constant 0 : i32
        %dma_start3A_40 = tpu.memref_slice %arg12[%dma_start3A, %dma_start3A_39] : memref<10000x32xf32, #tpu.memory_space<vmem_shared>> -> memref<400x32xf32, #tpu.memory_space<vmem_shared>>
        %dma_start3A_41 = arith.constant 9600 : i32
        %dma_start3A_42 = arith.constant 0 : i32
        %dma_start3A_43 = tpu.memref_slice %arg3[%dma_start3A_41, %dma_start3A_42] : memref<10000x32xf32, #tpu.memory_space<hbm>> -> memref<400x32xf32, #tpu.memory_space<hbm>>
        tpu.enqueue_dma source(%dma_start3A_43 : memref<400x32xf32, #tpu.memory_space<hbm>>) target(%dma_start3A_40 : memref<400x32xf32, #tpu.memory_space<vmem_shared>>) target_semaphore(%run_scoped3A : memref<!tpu.dma_semaphore, #tpu.memory_space<semaphore_mem>>)
        %dma_wait3A = arith.constant 9600 : i32
        %dma_wait3A_44 = arith.constant 0 : i32
        %dma_wait3A_45 = tpu.memref_slice %arg12[%dma_wait3A, %dma_wait3A_44] : memref<10000x32xf32, #tpu.memory_space<vmem_shared>> -> memref<400x32xf32, #tpu.memory_space<vmem_shared>>
        %dma_wait3A_46 = arith.constant 9600 : i32
        %dma_wait3A_47 = arith.constant 0 : i32
        %dma_wait3A_48 = tpu.memref_slice %arg3[%dma_wait3A_46, %dma_wait3A_47] : memref<10000x32xf32, #tpu.memory_space<hbm>> -> memref<400x32xf32, #tpu.memory_space<hbm>>
        tpu.wait_dma2 semaphore(%run_scoped3A : memref<!tpu.dma_semaphore, #tpu.memory_space<semaphore_mem>>) src(%dma_wait3A_48 : memref<400x32xf32, #tpu.memory_space<hbm>>) dst(%dma_wait3A_45 : memref<400x32xf32, #tpu.memory_space<vmem_shared>>)
        tpu.yield
      }) : () -> ()
    } else {
    }
    %barrier3A = arith.constant 0 : index
    tpu.barrier barrier_id(%barrier3A)
    %scan3A = arith.constant 0 : i32
    %scan3A_28 = arith.constant 0 : i32
    %scan3A_29 = arith.constant 157 : i32
    %scan3A_30 = arith.addi %scan3A_28, %scan3A_29 : i32
    %scan3A_31 = arith.constant 1 : i32
    %scan3A_32 = scf.for %scan3A_39 = %scan3A_28 to %scan3A_30 step %scan3A_31 iter_args(%scan3A_40 = %scan3A) -> (i32)  : i32 {
      "tpu.region"() ({
        %run_scoped3A = tpu.sem_alloc : memref<!tpu.dma_semaphore, #tpu.memory_space<semaphore_mem>>
        %dma_start3A = arith.constant 0 : i32
        %dma_start3A_42 = tpu.memref_slice %arg8[%scan3A_39, %dma_start3A] : memref<157x128xi32, #tpu.memory_space<vmem>> -> memref<1x128xi32, #tpu.memory_space<vmem>>
        %dma_start3A_43 = tpu.memref_squeeze %dma_start3A_42 : memref<1x128xi32, #tpu.memory_space<vmem>> -> memref<128xi32, #tpu.memory_space<vmem>>
        %dma_start3A_44 = arith.constant 0 : i32
        %dma_start3A_45 = arith.constant 0 : i32
        %dma_start3A_46 = tpu.memref_slice %arg12[%dma_start3A_44, %dma_start3A_45] : memref<10000x32xf32, #tpu.memory_space<vmem_shared>> -> memref<10000x32xf32, #tpu.memory_space<vmem_shared>>
        tpu.enqueue_indirect_dma source(%dma_start3A_46 : memref<10000x32xf32, #tpu.memory_space<vmem_shared>>) target(%arg10 : memref<128x32xf32, #tpu.memory_space<vmem>>) offsets(%dma_start3A_43 : memref<128xi32, #tpu.memory_space<vmem>>) semaphore(%run_scoped3A : memref<!tpu.dma_semaphore, #tpu.memory_space<semaphore_mem>>)
        %dma_wait3A = arith.constant 0 : i32
        %dma_wait3A_47 = tpu.memref_slice %arg8[%scan3A_39, %dma_wait3A] : memref<157x128xi32, #tpu.memory_space<vmem>> -> memref<1x128xi32, #tpu.memory_space<vmem>>
        %dma_wait3A_48 = tpu.memref_squeeze %dma_wait3A_47 : memref<1x128xi32, #tpu.memory_space<vmem>> -> memref<128xi32, #tpu.memory_space<vmem>>
        %dma_wait3A_49 = arith.constant 0 : i32
        %dma_wait3A_50 = arith.constant 0 : i32
        %dma_wait3A_51 = tpu.memref_slice %arg12[%dma_wait3A_49, %dma_wait3A_50] : memref<10000x32xf32, #tpu.memory_space<vmem_shared>> -> memref<10000x32xf32, #tpu.memory_space<vmem_shared>>
        tpu.wait_indirect_dma semaphore(%run_scoped3A : memref<!tpu.dma_semaphore, #tpu.memory_space<semaphore_mem>>) src(%dma_wait3A_51 : memref<10000x32xf32, #tpu.memory_space<vmem_shared>>) dst(%arg10 : memref<128x32xf32, #tpu.memory_space<vmem>>)
        tpu.yield
      }) : () -> ()
      "tpu.region"() ({
        %run_scoped3A = tpu.sem_alloc : memref<!tpu.dma_semaphore, #tpu.memory_space<semaphore_mem>>
        %dma_start3A = arith.constant 0 : i32
        %dma_start3A_42 = tpu.memref_slice %arg9[%scan3A_39, %dma_start3A] : memref<157x128xi32, #tpu.memory_space<vmem>> -> memref<1x128xi32, #tpu.memory_space<vmem>>
        %dma_start3A_43 = tpu.memref_squeeze %dma_start3A_42 : memref<1x128xi32, #tpu.memory_space<vmem>> -> memref<128xi32, #tpu.memory_space<vmem>>
        %dma_start3A_44 = arith.constant 0 : i32
        %dma_start3A_45 = arith.constant 0 : i32
        %dma_start3A_46 = tpu.memref_slice %arg13[%dma_start3A_44, %dma_start3A_45] : memref<10240x32xf32, #tpu.memory_space<vmem_shared>> -> memref<10240x32xf32, #tpu.memory_space<vmem_shared>>
        tpu.enqueue_indirect_dma source(%arg10 : memref<128x32xf32, #tpu.memory_space<vmem>>) target(%dma_start3A_46 : memref<10240x32xf32, #tpu.memory_space<vmem_shared>>) offsets(%dma_start3A_43 : memref<128xi32, #tpu.memory_space<vmem>>) semaphore(%run_scoped3A : memref<!tpu.dma_semaphore, #tpu.memory_space<semaphore_mem>>) {add = true}
        %dma_wait3A = arith.constant 0 : i32
        %dma_wait3A_47 = tpu.memref_slice %arg9[%scan3A_39, %dma_wait3A] : memref<157x128xi32, #tpu.memory_space<vmem>> -> memref<1x128xi32, #tpu.memory_space<vmem>>
        %dma_wait3A_48 = tpu.memref_squeeze %dma_wait3A_47 : memref<1x128xi32, #tpu.memory_space<vmem>> -> memref<128xi32, #tpu.memory_space<vmem>>
        %dma_wait3A_49 = arith.constant 0 : i32
        %dma_wait3A_50 = arith.constant 0 : i32
        %dma_wait3A_51 = tpu.memref_slice %arg13[%dma_wait3A_49, %dma_wait3A_50] : memref<10240x32xf32, #tpu.memory_space<vmem_shared>> -> memref<10240x32xf32, #tpu.memory_space<vmem_shared>>
        tpu.wait_indirect_dma semaphore(%run_scoped3A : memref<!tpu.dma_semaphore, #tpu.memory_space<semaphore_mem>>) src(%arg10 : memref<128x32xf32, #tpu.memory_space<vmem>>) dst(%dma_wait3A_51 : memref<10240x32xf32, #tpu.memory_space<vmem_shared>>)
        tpu.yield
      }) : () -> ()
      %scan3A_41 = arith.constant 0 : i32
      scf.yield %scan3A_41 : i32
    }
    %scan3A_33 = arith.constant 157 : i32
    %barrier3A_34 = arith.constant 0 : index
    tpu.barrier barrier_id(%barrier3A_34)
    %mul3A_35 = arith.constant 640 : i32
    %mul3A_36 = arith.muli %arg1, %mul3A_35 : i32
    "tpu.region"() ({
      %run_scoped3A = tpu.sem_alloc : memref<!tpu.dma_semaphore, #tpu.memory_space<semaphore_mem>>
      %dma_start3A = arith.constant 0 : i32
      %dma_start3A_39 = tpu.memref_slice %arg13[%mul3A_36, %dma_start3A] : memref<10240x32xf32, #tpu.memory_space<vmem_shared>> -> memref<640x32xf32, #tpu.memory_space<vmem_shared>>
      %dma_start3A_40 = arith.constant 0 : i32
      %dma_start3A_41 = tpu.memref_slice %arg13[%mul3A_36, %dma_start3A_40] : memref<10240x32xf32, #tpu.memory_space<vmem_shared>> -> memref<640x32xf32, #tpu.memory_space<vmem_shared>>
      tpu.enqueue_dma source(%dma_start3A_41 : memref<640x32xf32, #tpu.memory_space<vmem_shared>>) target(%arg11 : memref<640x32xf32, #tpu.memory_space<vmem>>) target_semaphore(%run_scoped3A : memref<!tpu.dma_semaphore, #tpu.memory_space<semaphore_mem>>)
      %dma_wait3A = arith.constant 0 : i32
      %dma_wait3A_42 = tpu.memref_slice %arg13[%mul3A_36, %dma_wait3A] : memref<10240x32xf32, #tpu.memory_space<vmem_shared>> -> memref<640x32xf32, #tpu.memory_space<vmem_shared>>
      %dma_wait3A_43 = arith.constant 0 : i32
      %dma_wait3A_44 = tpu.memref_slice %arg13[%mul3A_36, %dma_wait3A_43] : memref<10240x32xf32, #tpu.memory_space<vmem_shared>> -> memref<640x32xf32, #tpu.memory_space<vmem_shared>>
      tpu.wait_dma2 semaphore(%run_scoped3A : memref<!tpu.dma_semaphore, #tpu.memory_space<semaphore_mem>>) src(%dma_wait3A_44 : memref<640x32xf32, #tpu.memory_space<vmem_shared>>) dst(%arg11 : memref<640x32xf32, #tpu.memory_space<vmem>>)
      tpu.yield
    }) : () -> ()
    %mul3A_37 = arith.constant 640 : i32
    %mul3A_38 = arith.muli %arg1, %mul3A_37 : i32
    "tpu.region"() ({
      %run_scoped3A = tpu.sem_alloc : memref<!tpu.dma_semaphore, #tpu.memory_space<semaphore_mem>>
      %dma_start3A = arith.constant 0 : i32
      %dma_start3A_39 = tpu.memref_slice %arg7[%arg0, %mul3A_38, %dma_start3A] : memref<2x10240x32xf32, #tpu.memory_space<hbm>> -> memref<1x640x32xf32, #tpu.memory_space<hbm>>
      %dma_start3A_40 = tpu.memref_squeeze %dma_start3A_39 : memref<1x640x32xf32, #tpu.memory_space<hbm>> -> memref<640x32xf32, #tpu.memory_space<hbm>>
      %dma_start3A_41 = arith.constant 0 : i32
      %dma_start3A_42 = tpu.memref_slice %arg7[%arg0, %mul3A_38, %dma_start3A_41] : memref<2x10240x32xf32, #tpu.memory_space<hbm>> -> memref<1x640x32xf32, #tpu.memory_space<hbm>>
      %dma_start3A_43 = tpu.memref_squeeze %dma_start3A_42 : memref<1x640x32xf32, #tpu.memory_space<hbm>> -> memref<640x32xf32, #tpu.memory_space<hbm>>
      tpu.enqueue_dma source(%arg11 : memref<640x32xf32, #tpu.memory_space<vmem>>) target(%dma_start3A_43 : memref<640x32xf32, #tpu.memory_space<hbm>>) target_semaphore(%run_scoped3A : memref<!tpu.dma_semaphore, #tpu.memory_space<semaphore_mem>>)
      %dma_wait3A = arith.constant 0 : i32
      %dma_wait3A_44 = tpu.memref_slice %arg7[%arg0, %mul3A_38, %dma_wait3A] : memref<2x10240x32xf32, #tpu.memory_space<hbm>> -> memref<1x640x32xf32, #tpu.memory_space<hbm>>
      %dma_wait3A_45 = tpu.memref_squeeze %dma_wait3A_44 : memref<1x640x32xf32, #tpu.memory_space<hbm>> -> memref<640x32xf32, #tpu.memory_space<hbm>>
      %dma_wait3A_46 = arith.constant 0 : i32
      %dma_wait3A_47 = tpu.memref_slice %arg7[%arg0, %mul3A_38, %dma_wait3A_46] : memref<2x10240x32xf32, #tpu.memory_space<hbm>> -> memref<1x640x32xf32, #tpu.memory_space<hbm>>
      %dma_wait3A_48 = tpu.memref_squeeze %dma_wait3A_47 : memref<1x640x32xf32, #tpu.memory_space<hbm>> -> memref<640x32xf32, #tpu.memory_space<hbm>>
      tpu.wait_dma2 semaphore(%run_scoped3A : memref<!tpu.dma_semaphore, #tpu.memory_space<semaphore_mem>>) src(%arg11 : memref<640x32xf32, #tpu.memory_space<vmem>>) dst(%dma_wait3A_48 : memref<640x32xf32, #tpu.memory_space<hbm>>)
      tpu.yield
    }) : () -> ()
    return
  }
}

#map = affine_map<(d0, d1) -> (0, 0)>
#map1 = affine_map<(d0, d1) -> (0, 0, 0)>
module attributes {stable_mosaic.version = 14 : i64} {
  func.func @_sc_agg_body(%arg0: i32, %arg1: i32, %arg2: memref<10000x32xf32, #tpu.memory_space<hbm>>, %arg3: memref<10000x32xf32, #tpu.memory_space<hbm>>, %arg4: memref<16x157x128xi32, #tpu.memory_space<hbm>>, %arg5: memref<16x157x128xi32, #tpu.memory_space<hbm>>, %arg6: memref<640x32xf32, #tpu.memory_space<hbm>>, %arg7: memref<2x10240x32xf32, #tpu.memory_space<hbm>>, %arg8: memref<157x128xi32, #tpu.memory_space<vmem>>, %arg9: memref<157x128xi32, #tpu.memory_space<vmem>>, %arg10: memref<128x32xf32, #tpu.memory_space<vmem>>, %arg11: memref<640x32xf32, #tpu.memory_space<vmem>>, %arg12: memref<10000x32xf32, #tpu.memory_space<vmem_shared>>, %arg13: memref<10240x32xf32, #tpu.memory_space<vmem_shared>>, %arg14: memref<!tpu.dma_semaphore, #tpu.memory_space<semaphore_mem>>) attributes {dimension_semantics = [#tpu.dimension_semantics<core_parallel>, #tpu.dimension_semantics<subcore_parallel>], iteration_bounds = array<i64: 2, 16>, scalar_prefetch = 0 : i64, scratch_operands = 7 : i64, tpu.core_type = #tpu.core_type<sc_vector_subcore>, window_params = [{transform_indices = #map}, {transform_indices = #map}, {transform_indices = #map1}, {transform_indices = #map1}, {transform_indices = #map}, {transform_indices = #map1}]} {
    "tpu.region"() ({
      %run_scoped3A = tpu.sem_alloc : memref<!tpu.dma_semaphore, #tpu.memory_space<semaphore_mem>>
      %dma_start3A = arith.constant 0 : i32
      %dma_start3A_39 = arith.constant 0 : i32
      %dma_start3A_40 = tpu.memref_slice %arg4[%arg1, %dma_start3A, %dma_start3A_39] : memref<16x157x128xi32, #tpu.memory_space<hbm>> -> memref<1x157x128xi32, #tpu.memory_space<hbm>>
      %dma_start3A_41 = tpu.memref_squeeze %dma_start3A_40 : memref<1x157x128xi32, #tpu.memory_space<hbm>> -> memref<157x128xi32, #tpu.memory_space<hbm>>
      %dma_start3A_42 = arith.constant 0 : i32
      %dma_start3A_43 = arith.constant 0 : i32
      %dma_start3A_44 = tpu.memref_slice %arg4[%arg1, %dma_start3A_42, %dma_start3A_43] : memref<16x157x128xi32, #tpu.memory_space<hbm>> -> memref<1x157x128xi32, #tpu.memory_space<hbm>>
      %dma_start3A_45 = tpu.memref_squeeze %dma_start3A_44 : memref<1x157x128xi32, #tpu.memory_space<hbm>> -> memref<157x128xi32, #tpu.memory_space<hbm>>
      tpu.enqueue_dma source(%dma_start3A_45 : memref<157x128xi32, #tpu.memory_space<hbm>>) target(%arg8 : memref<157x128xi32, #tpu.memory_space<vmem>>) target_semaphore(%run_scoped3A : memref<!tpu.dma_semaphore, #tpu.memory_space<semaphore_mem>>)
      %dma_wait3A = arith.constant 0 : i32
      %dma_wait3A_46 = arith.constant 0 : i32
      %dma_wait3A_47 = tpu.memref_slice %arg4[%arg1, %dma_wait3A, %dma_wait3A_46] : memref<16x157x128xi32, #tpu.memory_space<hbm>> -> memref<1x157x128xi32, #tpu.memory_space<hbm>>
      %dma_wait3A_48 = tpu.memref_squeeze %dma_wait3A_47 : memref<1x157x128xi32, #tpu.memory_space<hbm>> -> memref<157x128xi32, #tpu.memory_space<hbm>>
      %dma_wait3A_49 = arith.constant 0 : i32
      %dma_wait3A_50 = arith.constant 0 : i32
      %dma_wait3A_51 = tpu.memref_slice %arg4[%arg1, %dma_wait3A_49, %dma_wait3A_50] : memref<16x157x128xi32, #tpu.memory_space<hbm>> -> memref<1x157x128xi32, #tpu.memory_space<hbm>>
      %dma_wait3A_52 = tpu.memref_squeeze %dma_wait3A_51 : memref<1x157x128xi32, #tpu.memory_space<hbm>> -> memref<157x128xi32, #tpu.memory_space<hbm>>
      tpu.wait_dma2 semaphore(%run_scoped3A : memref<!tpu.dma_semaphore, #tpu.memory_space<semaphore_mem>>) src(%dma_wait3A_52 : memref<157x128xi32, #tpu.memory_space<hbm>>) dst(%arg8 : memref<157x128xi32, #tpu.memory_space<vmem>>)
      tpu.yield
    }) : () -> ()
    "tpu.region"() ({
      %run_scoped3A = tpu.sem_alloc : memref<!tpu.dma_semaphore, #tpu.memory_space<semaphore_mem>>
      %dma_start3A = arith.constant 0 : i32
      %dma_start3A_39 = arith.constant 0 : i32
      %dma_start3A_40 = tpu.memref_slice %arg5[%arg1, %dma_start3A, %dma_start3A_39] : memref<16x157x128xi32, #tpu.memory_space<hbm>> -> memref<1x157x128xi32, #tpu.memory_space<hbm>>
      %dma_start3A_41 = tpu.memref_squeeze %dma_start3A_40 : memref<1x157x128xi32, #tpu.memory_space<hbm>> -> memref<157x128xi32, #tpu.memory_space<hbm>>
      %dma_start3A_42 = arith.constant 0 : i32
      %dma_start3A_43 = arith.constant 0 : i32
      %dma_start3A_44 = tpu.memref_slice %arg5[%arg1, %dma_start3A_42, %dma_start3A_43] : memref<16x157x128xi32, #tpu.memory_space<hbm>> -> memref<1x157x128xi32, #tpu.memory_space<hbm>>
      %dma_start3A_45 = tpu.memref_squeeze %dma_start3A_44 : memref<1x157x128xi32, #tpu.memory_space<hbm>> -> memref<157x128xi32, #tpu.memory_space<hbm>>
      tpu.enqueue_dma source(%dma_start3A_45 : memref<157x128xi32, #tpu.memory_space<hbm>>) target(%arg9 : memref<157x128xi32, #tpu.memory_space<vmem>>) target_semaphore(%run_scoped3A : memref<!tpu.dma_semaphore, #tpu.memory_space<semaphore_mem>>)
      %dma_wait3A = arith.constant 0 : i32
      %dma_wait3A_46 = arith.constant 0 : i32
      %dma_wait3A_47 = tpu.memref_slice %arg5[%arg1, %dma_wait3A, %dma_wait3A_46] : memref<16x157x128xi32, #tpu.memory_space<hbm>> -> memref<1x157x128xi32, #tpu.memory_space<hbm>>
      %dma_wait3A_48 = tpu.memref_squeeze %dma_wait3A_47 : memref<1x157x128xi32, #tpu.memory_space<hbm>> -> memref<157x128xi32, #tpu.memory_space<hbm>>
      %dma_wait3A_49 = arith.constant 0 : i32
      %dma_wait3A_50 = arith.constant 0 : i32
      %dma_wait3A_51 = tpu.memref_slice %arg5[%arg1, %dma_wait3A_49, %dma_wait3A_50] : memref<16x157x128xi32, #tpu.memory_space<hbm>> -> memref<1x157x128xi32, #tpu.memory_space<hbm>>
      %dma_wait3A_52 = tpu.memref_squeeze %dma_wait3A_51 : memref<1x157x128xi32, #tpu.memory_space<hbm>> -> memref<157x128xi32, #tpu.memory_space<hbm>>
      tpu.wait_dma2 semaphore(%run_scoped3A : memref<!tpu.dma_semaphore, #tpu.memory_space<semaphore_mem>>) src(%dma_wait3A_52 : memref<157x128xi32, #tpu.memory_space<hbm>>) dst(%arg9 : memref<157x128xi32, #tpu.memory_space<vmem>>)
      tpu.yield
    }) : () -> ()
    %mul3A = arith.constant 640 : i32
    %mul3A_0 = arith.muli %arg1, %mul3A : i32
    "tpu.region"() ({
      %run_scoped3A = tpu.sem_alloc : memref<!tpu.dma_semaphore, #tpu.memory_space<semaphore_mem>>
      %dma_start3A = arith.constant 0 : i32
      %dma_start3A_39 = tpu.memref_slice %arg13[%mul3A_0, %dma_start3A] : memref<10240x32xf32, #tpu.memory_space<vmem_shared>> -> memref<640x32xf32, #tpu.memory_space<vmem_shared>>
      tpu.enqueue_dma source(%arg6 : memref<640x32xf32, #tpu.memory_space<hbm>>) target(%dma_start3A_39 : memref<640x32xf32, #tpu.memory_space<vmem_shared>>) target_semaphore(%run_scoped3A : memref<!tpu.dma_semaphore, #tpu.memory_space<semaphore_mem>>)
      %dma_wait3A = arith.constant 0 : i32
      %dma_wait3A_40 = tpu.memref_slice %arg13[%mul3A_0, %dma_wait3A] : memref<10240x32xf32, #tpu.memory_space<vmem_shared>> -> memref<640x32xf32, #tpu.memory_space<vmem_shared>>
      tpu.wait_dma2 semaphore(%run_scoped3A : memref<!tpu.dma_semaphore, #tpu.memory_space<semaphore_mem>>) src(%arg6 : memref<640x32xf32, #tpu.memory_space<hbm>>) dst(%dma_wait3A_40 : memref<640x32xf32, #tpu.memory_space<vmem_shared>>)
      tpu.yield
    }) : () -> ()
    %eq3A = arith.constant 0 : i32
    %eq3A_1 = arith.cmpi eq, %arg0, %eq3A : i32
    %lt3A = arith.constant 15 : i32
    %lt3A_2 = arith.cmpi slt, %arg1, %lt3A : i32
    %and3A = arith.andi %eq3A_1, %lt3A_2 : i1
    %convert_element_type3A = arith.extui %and3A : i1 to i32
    %cond3A = arith.constant 0 : i32
    %cond3A_3 = arith.cmpi ne, %convert_element_type3A, %cond3A : i32
    scf.if %cond3A_3 {
      %mul3A_39 = arith.constant 640 : i32
      %mul3A_40 = arith.muli %arg1, %mul3A_39 : i32
      %mul3A_41 = arith.constant 640 : i32
      %mul3A_42 = arith.muli %arg1, %mul3A_41 : i32
      "tpu.region"() ({
        %run_scoped3A = tpu.sem_alloc : memref<!tpu.dma_semaphore, #tpu.memory_space<semaphore_mem>>
        %dma_start3A = arith.constant 0 : i32
        %dma_start3A_43 = tpu.memref_slice %arg12[%mul3A_42, %dma_start3A] : memref<10000x32xf32, #tpu.memory_space<vmem_shared>> -> memref<640x32xf32, #tpu.memory_space<vmem_shared>>
        %dma_start3A_44 = arith.constant 0 : i32
        %dma_start3A_45 = tpu.memref_slice %arg2[%mul3A_40, %dma_start3A_44] : memref<10000x32xf32, #tpu.memory_space<hbm>> -> memref<640x32xf32, #tpu.memory_space<hbm>>
        tpu.enqueue_dma source(%dma_start3A_45 : memref<640x32xf32, #tpu.memory_space<hbm>>) target(%dma_start3A_43 : memref<640x32xf32, #tpu.memory_space<vmem_shared>>) target_semaphore(%run_scoped3A : memref<!tpu.dma_semaphore, #tpu.memory_space<semaphore_mem>>)
        %dma_wait3A = arith.constant 0 : i32
        %dma_wait3A_46 = tpu.memref_slice %arg12[%mul3A_42, %dma_wait3A] : memref<10000x32xf32, #tpu.memory_space<vmem_shared>> -> memref<640x32xf32, #tpu.memory_space<vmem_shared>>
        %dma_wait3A_47 = arith.constant 0 : i32
        %dma_wait3A_48 = tpu.memref_slice %arg2[%mul3A_40, %dma_wait3A_47] : memref<10000x32xf32, #tpu.memory_space<hbm>> -> memref<640x32xf32, #tpu.memory_space<hbm>>
        tpu.wait_dma2 semaphore(%run_scoped3A : memref<!tpu.dma_semaphore, #tpu.memory_space<semaphore_mem>>) src(%dma_wait3A_48 : memref<640x32xf32, #tpu.memory_space<hbm>>) dst(%dma_wait3A_46 : memref<640x32xf32, #tpu.memory_space<vmem_shared>>)
        tpu.yield
      }) : () -> ()
    } else {
    }
    %eq3A_4 = arith.constant 0 : i32
    %eq3A_5 = arith.cmpi eq, %arg0, %eq3A_4 : i32
    %eq3A_6 = arith.constant 15 : i32
    %eq3A_7 = arith.cmpi eq, %arg1, %eq3A_6 : i32
    %and3A_8 = arith.andi %eq3A_5, %eq3A_7 : i1
    %convert_element_type3A_9 = arith.extui %and3A_8 : i1 to i32
    %cond3A_10 = arith.constant 0 : i32
    %cond3A_11 = arith.cmpi ne, %convert_element_type3A_9, %cond3A_10 : i32
    scf.if %cond3A_11 {
      "tpu.region"() ({
        %run_scoped3A = tpu.sem_alloc : memref<!tpu.dma_semaphore, #tpu.memory_space<semaphore_mem>>
        %dma_start3A = arith.constant 9600 : i32
        %dma_start3A_39 = arith.constant 0 : i32
        %dma_start3A_40 = tpu.memref_slice %arg12[%dma_start3A, %dma_start3A_39] : memref<10000x32xf32, #tpu.memory_space<vmem_shared>> -> memref<400x32xf32, #tpu.memory_space<vmem_shared>>
        %dma_start3A_41 = arith.constant 9600 : i32
        %dma_start3A_42 = arith.constant 0 : i32
        %dma_start3A_43 = tpu.memref_slice %arg2[%dma_start3A_41, %dma_start3A_42] : memref<10000x32xf32, #tpu.memory_space<hbm>> -> memref<400x32xf32, #tpu.memory_space<hbm>>
        tpu.enqueue_dma source(%dma_start3A_43 : memref<400x32xf32, #tpu.memory_space<hbm>>) target(%dma_start3A_40 : memref<400x32xf32, #tpu.memory_space<vmem_shared>>) target_semaphore(%run_scoped3A : memref<!tpu.dma_semaphore, #tpu.memory_space<semaphore_mem>>)
        %dma_wait3A = arith.constant 9600 : i32
        %dma_wait3A_44 = arith.constant 0 : i32
        %dma_wait3A_45 = tpu.memref_slice %arg12[%dma_wait3A, %dma_wait3A_44] : memref<10000x32xf32, #tpu.memory_space<vmem_shared>> -> memref<400x32xf32, #tpu.memory_space<vmem_shared>>
        %dma_wait3A_46 = arith.constant 9600 : i32
        %dma_wait3A_47 = arith.constant 0 : i32
        %dma_wait3A_48 = tpu.memref_slice %arg2[%dma_wait3A_46, %dma_wait3A_47] : memref<10000x32xf32, #tpu.memory_space<hbm>> -> memref<400x32xf32, #tpu.memory_space<hbm>>
        tpu.wait_dma2 semaphore(%run_scoped3A : memref<!tpu.dma_semaphore, #tpu.memory_space<semaphore_mem>>) src(%dma_wait3A_48 : memref<400x32xf32, #tpu.memory_space<hbm>>) dst(%dma_wait3A_45 : memref<400x32xf32, #tpu.memory_space<vmem_shared>>)
        tpu.yield
      }) : () -> ()
    } else {
    }
    %eq3A_12 = arith.constant 1 : i32
    %eq3A_13 = arith.cmpi eq, %arg0, %eq3A_12 : i32
    %lt3A_14 = arith.constant 15 : i32
    %lt3A_15 = arith.cmpi slt, %arg1, %lt3A_14 : i32
    %and3A_16 = arith.andi %eq3A_13, %lt3A_15 : i1
    %convert_element_type3A_17 = arith.extui %and3A_16 : i1 to i32
    %cond3A_18 = arith.constant 0 : i32
    %cond3A_19 = arith.cmpi ne, %convert_element_type3A_17, %cond3A_18 : i32
    scf.if %cond3A_19 {
      %mul3A_39 = arith.constant 640 : i32
      %mul3A_40 = arith.muli %arg1, %mul3A_39 : i32
      %mul3A_41 = arith.constant 640 : i32
      %mul3A_42 = arith.muli %arg1, %mul3A_41 : i32
      "tpu.region"() ({
        %run_scoped3A = tpu.sem_alloc : memref<!tpu.dma_semaphore, #tpu.memory_space<semaphore_mem>>
        %dma_start3A = arith.constant 0 : i32
        %dma_start3A_43 = tpu.memref_slice %arg12[%mul3A_42, %dma_start3A] : memref<10000x32xf32, #tpu.memory_space<vmem_shared>> -> memref<640x32xf32, #tpu.memory_space<vmem_shared>>
        %dma_start3A_44 = arith.constant 0 : i32
        %dma_start3A_45 = tpu.memref_slice %arg3[%mul3A_40, %dma_start3A_44] : memref<10000x32xf32, #tpu.memory_space<hbm>> -> memref<640x32xf32, #tpu.memory_space<hbm>>
        tpu.enqueue_dma source(%dma_start3A_45 : memref<640x32xf32, #tpu.memory_space<hbm>>) target(%dma_start3A_43 : memref<640x32xf32, #tpu.memory_space<vmem_shared>>) target_semaphore(%run_scoped3A : memref<!tpu.dma_semaphore, #tpu.memory_space<semaphore_mem>>)
        %dma_wait3A = arith.constant 0 : i32
        %dma_wait3A_46 = tpu.memref_slice %arg12[%mul3A_42, %dma_wait3A] : memref<10000x32xf32, #tpu.memory_space<vmem_shared>> -> memref<640x32xf32, #tpu.memory_space<vmem_shared>>
        %dma_wait3A_47 = arith.constant 0 : i32
        %dma_wait3A_48 = tpu.memref_slice %arg3[%mul3A_40, %dma_wait3A_47] : memref<10000x32xf32, #tpu.memory_space<hbm>> -> memref<640x32xf32, #tpu.memory_space<hbm>>
        tpu.wait_dma2 semaphore(%run_scoped3A : memref<!tpu.dma_semaphore, #tpu.memory_space<semaphore_mem>>) src(%dma_wait3A_48 : memref<640x32xf32, #tpu.memory_space<hbm>>) dst(%dma_wait3A_46 : memref<640x32xf32, #tpu.memory_space<vmem_shared>>)
        tpu.yield
      }) : () -> ()
    } else {
    }
    %eq3A_20 = arith.constant 1 : i32
    %eq3A_21 = arith.cmpi eq, %arg0, %eq3A_20 : i32
    %eq3A_22 = arith.constant 15 : i32
    %eq3A_23 = arith.cmpi eq, %arg1, %eq3A_22 : i32
    %and3A_24 = arith.andi %eq3A_21, %eq3A_23 : i1
    %convert_element_type3A_25 = arith.extui %and3A_24 : i1 to i32
    %cond3A_26 = arith.constant 0 : i32
    %cond3A_27 = arith.cmpi ne, %convert_element_type3A_25, %cond3A_26 : i32
    scf.if %cond3A_27 {
      "tpu.region"() ({
        %run_scoped3A = tpu.sem_alloc : memref<!tpu.dma_semaphore, #tpu.memory_space<semaphore_mem>>
        %dma_start3A = arith.constant 9600 : i32
        %dma_start3A_39 = arith.constant 0 : i32
        %dma_start3A_40 = tpu.memref_slice %arg12[%dma_start3A, %dma_start3A_39] : memref<10000x32xf32, #tpu.memory_space<vmem_shared>> -> memref<400x32xf32, #tpu.memory_space<vmem_shared>>
        %dma_start3A_41 = arith.constant 9600 : i32
        %dma_start3A_42 = arith.constant 0 : i32
        %dma_start3A_43 = tpu.memref_slice %arg3[%dma_start3A_41, %dma_start3A_42] : memref<10000x32xf32, #tpu.memory_space<hbm>> -> memref<400x32xf32, #tpu.memory_space<hbm>>
        tpu.enqueue_dma source(%dma_start3A_43 : memref<400x32xf32, #tpu.memory_space<hbm>>) target(%dma_start3A_40 : memref<400x32xf32, #tpu.memory_space<vmem_shared>>) target_semaphore(%run_scoped3A : memref<!tpu.dma_semaphore, #tpu.memory_space<semaphore_mem>>)
        %dma_wait3A = arith.constant 9600 : i32
        %dma_wait3A_44 = arith.constant 0 : i32
        %dma_wait3A_45 = tpu.memref_slice %arg12[%dma_wait3A, %dma_wait3A_44] : memref<10000x32xf32, #tpu.memory_space<vmem_shared>> -> memref<400x32xf32, #tpu.memory_space<vmem_shared>>
        %dma_wait3A_46 = arith.constant 9600 : i32
        %dma_wait3A_47 = arith.constant 0 : i32
        %dma_wait3A_48 = tpu.memref_slice %arg3[%dma_wait3A_46, %dma_wait3A_47] : memref<10000x32xf32, #tpu.memory_space<hbm>> -> memref<400x32xf32, #tpu.memory_space<hbm>>
        tpu.wait_dma2 semaphore(%run_scoped3A : memref<!tpu.dma_semaphore, #tpu.memory_space<semaphore_mem>>) src(%dma_wait3A_48 : memref<400x32xf32, #tpu.memory_space<hbm>>) dst(%dma_wait3A_45 : memref<400x32xf32, #tpu.memory_space<vmem_shared>>)
        tpu.yield
      }) : () -> ()
    } else {
    }
    %barrier3A = arith.constant 0 : index
    tpu.barrier barrier_id(%barrier3A)
    %scan3A = arith.constant 0 : i32
    %scan3A_28 = arith.constant 0 : i32
    %scan3A_29 = arith.constant 157 : i32
    %scan3A_30 = arith.addi %scan3A_28, %scan3A_29 : i32
    %scan3A_31 = arith.constant 1 : i32
    %scan3A_32 = scf.for %scan3A_39 = %scan3A_28 to %scan3A_30 step %scan3A_31 iter_args(%scan3A_40 = %scan3A) -> (i32)  : i32 {
      "tpu.region"() ({
        %run_scoped3A = tpu.sem_alloc : memref<!tpu.dma_semaphore, #tpu.memory_space<semaphore_mem>>
        %dma_start3A = arith.constant 0 : i32
        %dma_start3A_42 = tpu.memref_slice %arg8[%scan3A_39, %dma_start3A] : memref<157x128xi32, #tpu.memory_space<vmem>> -> memref<1x128xi32, #tpu.memory_space<vmem>>
        %dma_start3A_43 = tpu.memref_squeeze %dma_start3A_42 : memref<1x128xi32, #tpu.memory_space<vmem>> -> memref<128xi32, #tpu.memory_space<vmem>>
        %dma_start3A_44 = arith.constant 0 : i32
        %dma_start3A_45 = arith.constant 0 : i32
        %dma_start3A_46 = tpu.memref_slice %arg12[%dma_start3A_44, %dma_start3A_45] : memref<10000x32xf32, #tpu.memory_space<vmem_shared>> -> memref<10000x32xf32, #tpu.memory_space<vmem_shared>>
        tpu.enqueue_indirect_dma source(%dma_start3A_46 : memref<10000x32xf32, #tpu.memory_space<vmem_shared>>) target(%arg10 : memref<128x32xf32, #tpu.memory_space<vmem>>) offsets(%dma_start3A_43 : memref<128xi32, #tpu.memory_space<vmem>>) semaphore(%run_scoped3A : memref<!tpu.dma_semaphore, #tpu.memory_space<semaphore_mem>>)
        %dma_wait3A = arith.constant 0 : i32
        %dma_wait3A_47 = tpu.memref_slice %arg8[%scan3A_39, %dma_wait3A] : memref<157x128xi32, #tpu.memory_space<vmem>> -> memref<1x128xi32, #tpu.memory_space<vmem>>
        %dma_wait3A_48 = tpu.memref_squeeze %dma_wait3A_47 : memref<1x128xi32, #tpu.memory_space<vmem>> -> memref<128xi32, #tpu.memory_space<vmem>>
        %dma_wait3A_49 = arith.constant 0 : i32
        %dma_wait3A_50 = arith.constant 0 : i32
        %dma_wait3A_51 = tpu.memref_slice %arg12[%dma_wait3A_49, %dma_wait3A_50] : memref<10000x32xf32, #tpu.memory_space<vmem_shared>> -> memref<10000x32xf32, #tpu.memory_space<vmem_shared>>
        tpu.wait_indirect_dma semaphore(%run_scoped3A : memref<!tpu.dma_semaphore, #tpu.memory_space<semaphore_mem>>) src(%dma_wait3A_51 : memref<10000x32xf32, #tpu.memory_space<vmem_shared>>) dst(%arg10 : memref<128x32xf32, #tpu.memory_space<vmem>>)
        tpu.yield
      }) : () -> ()
      "tpu.region"() ({
        %run_scoped3A = tpu.sem_alloc : memref<!tpu.dma_semaphore, #tpu.memory_space<semaphore_mem>>
        %dma_start3A = arith.constant 0 : i32
        %dma_start3A_42 = tpu.memref_slice %arg9[%scan3A_39, %dma_start3A] : memref<157x128xi32, #tpu.memory_space<vmem>> -> memref<1x128xi32, #tpu.memory_space<vmem>>
        %dma_start3A_43 = tpu.memref_squeeze %dma_start3A_42 : memref<1x128xi32, #tpu.memory_space<vmem>> -> memref<128xi32, #tpu.memory_space<vmem>>
        %dma_start3A_44 = arith.constant 0 : i32
        %dma_start3A_45 = arith.constant 0 : i32
        %dma_start3A_46 = tpu.memref_slice %arg13[%dma_start3A_44, %dma_start3A_45] : memref<10240x32xf32, #tpu.memory_space<vmem_shared>> -> memref<10240x32xf32, #tpu.memory_space<vmem_shared>>
        tpu.enqueue_indirect_dma source(%arg10 : memref<128x32xf32, #tpu.memory_space<vmem>>) target(%dma_start3A_46 : memref<10240x32xf32, #tpu.memory_space<vmem_shared>>) offsets(%dma_start3A_43 : memref<128xi32, #tpu.memory_space<vmem>>) semaphore(%run_scoped3A : memref<!tpu.dma_semaphore, #tpu.memory_space<semaphore_mem>>) {add = true}
        %dma_wait3A = arith.constant 0 : i32
        %dma_wait3A_47 = tpu.memref_slice %arg9[%scan3A_39, %dma_wait3A] : memref<157x128xi32, #tpu.memory_space<vmem>> -> memref<1x128xi32, #tpu.memory_space<vmem>>
        %dma_wait3A_48 = tpu.memref_squeeze %dma_wait3A_47 : memref<1x128xi32, #tpu.memory_space<vmem>> -> memref<128xi32, #tpu.memory_space<vmem>>
        %dma_wait3A_49 = arith.constant 0 : i32
        %dma_wait3A_50 = arith.constant 0 : i32
        %dma_wait3A_51 = tpu.memref_slice %arg13[%dma_wait3A_49, %dma_wait3A_50] : memref<10240x32xf32, #tpu.memory_space<vmem_shared>> -> memref<10240x32xf32, #tpu.memory_space<vmem_shared>>
        tpu.wait_indirect_dma semaphore(%run_scoped3A : memref<!tpu.dma_semaphore, #tpu.memory_space<semaphore_mem>>) src(%arg10 : memref<128x32xf32, #tpu.memory_space<vmem>>) dst(%dma_wait3A_51 : memref<10240x32xf32, #tpu.memory_space<vmem_shared>>)
        tpu.yield
      }) : () -> ()
      %scan3A_41 = arith.constant 0 : i32
      scf.yield %scan3A_41 : i32
    }
    %scan3A_33 = arith.constant 157 : i32
    %barrier3A_34 = arith.constant 0 : index
    tpu.barrier barrier_id(%barrier3A_34)
    %mul3A_35 = arith.constant 640 : i32
    %mul3A_36 = arith.muli %arg1, %mul3A_35 : i32
    "tpu.region"() ({
      %run_scoped3A = tpu.sem_alloc : memref<!tpu.dma_semaphore, #tpu.memory_space<semaphore_mem>>
      %dma_start3A = arith.constant 0 : i32
      %dma_start3A_39 = tpu.memref_slice %arg13[%mul3A_36, %dma_start3A] : memref<10240x32xf32, #tpu.memory_space<vmem_shared>> -> memref<640x32xf32, #tpu.memory_space<vmem_shared>>
      %dma_start3A_40 = arith.constant 0 : i32
      %dma_start3A_41 = tpu.memref_slice %arg13[%mul3A_36, %dma_start3A_40] : memref<10240x32xf32, #tpu.memory_space<vmem_shared>> -> memref<640x32xf32, #tpu.memory_space<vmem_shared>>
      tpu.enqueue_dma source(%dma_start3A_41 : memref<640x32xf32, #tpu.memory_space<vmem_shared>>) target(%arg11 : memref<640x32xf32, #tpu.memory_space<vmem>>) target_semaphore(%run_scoped3A : memref<!tpu.dma_semaphore, #tpu.memory_space<semaphore_mem>>)
      %dma_wait3A = arith.constant 0 : i32
      %dma_wait3A_42 = tpu.memref_slice %arg13[%mul3A_36, %dma_wait3A] : memref<10240x32xf32, #tpu.memory_space<vmem_shared>> -> memref<640x32xf32, #tpu.memory_space<vmem_shared>>
      %dma_wait3A_43 = arith.constant 0 : i32
      %dma_wait3A_44 = tpu.memref_slice %arg13[%mul3A_36, %dma_wait3A_43] : memref<10240x32xf32, #tpu.memory_space<vmem_shared>> -> memref<640x32xf32, #tpu.memory_space<vmem_shared>>
      tpu.wait_dma2 semaphore(%run_scoped3A : memref<!tpu.dma_semaphore, #tpu.memory_space<semaphore_mem>>) src(%dma_wait3A_44 : memref<640x32xf32, #tpu.memory_space<vmem_shared>>) dst(%arg11 : memref<640x32xf32, #tpu.memory_space<vmem>>)
      tpu.yield
    }) : () -> ()
    %mul3A_37 = arith.constant 640 : i32
    %mul3A_38 = arith.muli %arg1, %mul3A_37 : i32
    "tpu.region"() ({
      %run_scoped3A = tpu.sem_alloc : memref<!tpu.dma_semaphore, #tpu.memory_space<semaphore_mem>>
      %dma_start3A = arith.constant 0 : i32
      %dma_start3A_39 = tpu.memref_slice %arg7[%arg0, %mul3A_38, %dma_start3A] : memref<2x10240x32xf32, #tpu.memory_space<hbm>> -> memref<1x640x32xf32, #tpu.memory_space<hbm>>
      %dma_start3A_40 = tpu.memref_squeeze %dma_start3A_39 : memref<1x640x32xf32, #tpu.memory_space<hbm>> -> memref<640x32xf32, #tpu.memory_space<hbm>>
      %dma_start3A_41 = arith.constant 0 : i32
      %dma_start3A_42 = tpu.memref_slice %arg7[%arg0, %mul3A_38, %dma_start3A_41] : memref<2x10240x32xf32, #tpu.memory_space<hbm>> -> memref<1x640x32xf32, #tpu.memory_space<hbm>>
      %dma_start3A_43 = tpu.memref_squeeze %dma_start3A_42 : memref<1x640x32xf32, #tpu.memory_space<hbm>> -> memref<640x32xf32, #tpu.memory_space<hbm>>
      tpu.enqueue_dma source(%arg11 : memref<640x32xf32, #tpu.memory_space<vmem>>) target(%dma_start3A_43 : memref<640x32xf32, #tpu.memory_space<hbm>>) target_semaphore(%run_scoped3A : memref<!tpu.dma_semaphore, #tpu.memory_space<semaphore_mem>>)
      %dma_wait3A = arith.constant 0 : i32
      %dma_wait3A_44 = tpu.memref_slice %arg7[%arg0, %mul3A_38, %dma_wait3A] : memref<2x10240x32xf32, #tpu.memory_space<hbm>> -> memref<1x640x32xf32, #tpu.memory_space<hbm>>
      %dma_wait3A_45 = tpu.memref_squeeze %dma_wait3A_44 : memref<1x640x32xf32, #tpu.memory_space<hbm>> -> memref<640x32xf32, #tpu.memory_space<hbm>>
      %dma_wait3A_46 = arith.constant 0 : i32
      %dma_wait3A_47 = tpu.memref_slice %arg7[%arg0, %mul3A_38, %dma_wait3A_46] : memref<2x10240x32xf32, #tpu.memory_space<hbm>> -> memref<1x640x32xf32, #tpu.memory_space<hbm>>
      %dma_wait3A_48 = tpu.memref_squeeze %dma_wait3A_47 : memref<1x640x32xf32, #tpu.memory_space<hbm>> -> memref<640x32xf32, #tpu.memory_space<hbm>>
      tpu.wait_dma2 semaphore(%run_scoped3A : memref<!tpu.dma_semaphore, #tpu.memory_space<semaphore_mem>>) src(%arg11 : memref<640x32xf32, #tpu.memory_space<vmem>>) dst(%dma_wait3A_48 : memref<640x32xf32, #tpu.memory_space<hbm>>)
      tpu.yield
    }) : () -> ()
    return
  }
}

module attributes {stable_mosaic.version = 14 : i64} {
  func.func @_proj_body(%arg0: i32, %arg1: memref<1000x128xf32, #tpu.memory_space<vmem>>, %arg2: memref<128x32xf32, #tpu.memory_space<vmem>>, %arg3: memref<128x32xf32, #tpu.memory_space<vmem>>, %arg4: memref<1000x32xf32, #tpu.memory_space<vmem>>, %arg5: memref<1000x32xf32, #tpu.memory_space<vmem>>) attributes {dimension_semantics = [#tpu.dimension_semantics<arbitrary>], iteration_bounds = array<i64: 10>, scalar_prefetch = 0 : i64, scratch_operands = 0 : i64, tpu.core_type = #tpu.core_type<tc>, window_params = [{transform_indices = @transform_0, window_bounds = array<i64: 1000, 128>}, {pipeline_mode = #tpu.pipeline_mode<synchronous>, transform_indices = @transform_1, window_bounds = array<i64: 128, 32>}, {pipeline_mode = #tpu.pipeline_mode<synchronous>, transform_indices = @transform_2, window_bounds = array<i64: 128, 32>}, {transform_indices = @transform_3, window_bounds = array<i64: 1000, 32>}, {transform_indices = @transform_4, window_bounds = array<i64: 1000, 32>}]} {
    %get3A = arith.constant 0 : index
    %get3A_0 = arith.constant 0 : index
    %get3A_1 = vector.load %arg1[%get3A, %get3A_0] : memref<1000x128xf32, #tpu.memory_space<vmem>>, vector<1000x128xf32>
    %get3A_2 = arith.constant 0 : index
    %get3A_3 = arith.constant 0 : index
    %get3A_4 = vector.load %arg2[%get3A_2, %get3A_3] : memref<128x32xf32, #tpu.memory_space<vmem>>, vector<128x32xf32>
    %dot_general3A = arith.constant dense<0.000000e+00> : vector<1000x32xf32>
    %dot_general3A_5 = tpu.matmul %get3A_1, %get3A_4, %dot_general3A {dimension_numbers = #tpu.dot_dimension_numbers<[1], [0], [0], [1], [0, 0, 1, 1], [], []>, transpose_lhs_hint = false} : vector<1000x128xf32>, vector<128x32xf32>, vector<1000x32xf32> -> vector<1000x32xf32>
    %swap3A = arith.constant 0 : index
    %swap3A_6 = arith.constant 0 : index
    %swap3A_7 = vector.load %arg4[%swap3A, %swap3A_6] : memref<1000x32xf32, #tpu.memory_space<vmem>>, vector<1000x32xf32>
    tpu.vector_store %arg4[%swap3A, %swap3A_6], %dot_general3A_5 {strides = array<i32>} : memref<1000x32xf32, #tpu.memory_space<vmem>>, vector<1000x32xf32>,
    %get3A_8 = arith.constant 0 : index
    %get3A_9 = arith.constant 0 : index
    %get3A_10 = vector.load %arg3[%get3A_8, %get3A_9] : memref<128x32xf32, #tpu.memory_space<vmem>>, vector<128x32xf32>
    %dot_general3A_11 = arith.constant dense<0.000000e+00> : vector<1000x32xf32>
    %dot_general3A_12 = tpu.matmul %get3A_1, %get3A_10, %dot_general3A_11 {dimension_numbers = #tpu.dot_dimension_numbers<[1], [0], [0], [1], [0, 0, 1, 1], [], []>, transpose_lhs_hint = false} : vector<1000x128xf32>, vector<128x32xf32>, vector<1000x32xf32> -> vector<1000x32xf32>
    %swap3A_13 = arith.constant 0 : index
    %swap3A_14 = arith.constant 0 : index
    %swap3A_15 = vector.load %arg5[%swap3A_13, %swap3A_14] : memref<1000x32xf32, #tpu.memory_space<vmem>>, vector<1000x32xf32>
    tpu.vector_store %arg5[%swap3A_13, %swap3A_14], %dot_general3A_12 {strides = array<i32>} : memref<1000x32xf32, #tpu.memory_space<vmem>>, vector<1000x32xf32>,
    return
  }
  func.func @transform_0(%arg0: i32) -> (i32, i32) {
    %c0_i32 = arith.constant 0 : i32
    %c0_i32_0 = arith.constant 0 : i32
    return %arg0, %c0_i32 : i32, i32
  }
  func.func @transform_1(%arg0: i32) -> (i32, i32) {
    %c0_i32 = arith.constant 0 : i32
    %c0_i32_0 = arith.constant 0 : i32
    %c0_i32_1 = arith.constant 0 : i32
    return %c0_i32, %c0_i32_0 : i32, i32
  }
  func.func @transform_2(%arg0: i32) -> (i32, i32) {
    %c0_i32 = arith.constant 0 : i32
    %c0_i32_0 = arith.constant 0 : i32
    %c0_i32_1 = arith.constant 0 : i32
    return %c0_i32, %c0_i32_0 : i32, i32
  }
  func.func @transform_3(%arg0: i32) -> (i32, i32) {
    %c0_i32 = arith.constant 0 : i32
    %c0_i32_0 = arith.constant 0 : i32
    return %arg0, %c0_i32 : i32, i32
  }
  func.func @transform_4(%arg0: i32) -> (i32, i32) {
    %c0_i32 = arith.constant 0 : i32
    %c0_i32_0 = arith.constant 0 : i32
    return %arg0, %c0_i32 : i32, i32
  }
}

module attributes {stable_mosaic.version = 14 : i64} {
  func.func @_tail_body(%arg0: i32, %arg1: memref<1000x32xf32, #tpu.memory_space<vmem>>, %arg2: memref<1000x32xf32, #tpu.memory_space<vmem>>, %arg3: memref<2x1000x32xf32, #tpu.memory_space<vmem>>, %arg4: memref<8x64xf32, #tpu.memory_space<vmem>>, %arg5: memref<64x64xf32, #tpu.memory_space<vmem>>, %arg6: memref<64x32xf32, #tpu.memory_space<vmem>>, %arg7: memref<64x32xf32, #tpu.memory_space<vmem>>, %arg8: memref<1x1x1000xi32, #tpu.memory_space<vmem>>, %arg9: memref<1000x32xf32, #tpu.memory_space<vmem>>, %arg10: memref<1000x32xf32, #tpu.memory_space<vmem>>, %arg11: memref<64x64xf32, #tpu.memory_space<vmem>>) attributes {dimension_semantics = [#tpu.dimension_semantics<arbitrary>], iteration_bounds = array<i64: 10>, scalar_prefetch = 0 : i64, scratch_operands = 0 : i64, tpu.core_type = #tpu.core_type<tc>, window_params = [{transform_indices = @transform_0, window_bounds = array<i64: 1000, 32>}, {transform_indices = @transform_1, window_bounds = array<i64: 1000, 32>}, {transform_indices = @transform_2, window_bounds = array<i64: 2, 1000, 32>}, {pipeline_mode = #tpu.pipeline_mode<synchronous>, transform_indices = @transform_3, window_bounds = array<i64: 8, 64>}, {pipeline_mode = #tpu.pipeline_mode<synchronous>, transform_indices = @transform_4, window_bounds = array<i64: 64, 64>}, {pipeline_mode = #tpu.pipeline_mode<synchronous>, transform_indices = @transform_5, window_bounds = array<i64: 64, 32>}, {pipeline_mode = #tpu.pipeline_mode<synchronous>, transform_indices = @transform_6, window_bounds = array<i64: 64, 32>}, {transform_indices = @transform_7, window_bounds = array<i64: 1, 1, 1000>}, {transform_indices = @transform_8, window_bounds = array<i64: 1000, 32>}, {transform_indices = @transform_9, window_bounds = array<i64: 1000, 32>}, {pipeline_mode = #tpu.pipeline_mode<synchronous>, transform_indices = @transform_10, window_bounds = array<i64: 64, 64>}]} {
    %get3A = arith.constant 0 : index
    %get3A_0 = arith.constant 0 : index
    %get3A_1 = vector.load %arg4[%get3A, %get3A_0] : memref<8x64xf32, #tpu.memory_space<vmem>>, vector<1x64xf32>
    %get3A_2 = vector.shape_cast %get3A_1 : vector<1x64xf32> to vector<64xf32>
    %get3A_3 = arith.constant 1 : index
    %get3A_4 = arith.constant 0 : index
    %get3A_5 = vector.load %arg4[%get3A_3, %get3A_4] : memref<8x64xf32, #tpu.memory_space<vmem>>, vector<1x64xf32>
    %get3A_6 = vector.shape_cast %get3A_5 : vector<1x64xf32> to vector<64xf32>
    %get3A_7 = arith.constant 2 : index
    %get3A_8 = arith.constant 0 : index
    %get3A_9 = vector.load %arg4[%get3A_7, %get3A_8] : memref<8x64xf32, #tpu.memory_space<vmem>>, vector<1x64xf32>
    %get3A_10 = vector.shape_cast %get3A_9 : vector<1x64xf32> to vector<64xf32>
    %get3A_11 = arith.constant 3 : index
    %get3A_12 = arith.constant 0 : index
    %get3A_13 = vector.load %arg4[%get3A_11, %get3A_12] : memref<8x64xf32, #tpu.memory_space<vmem>>, vector<1x64xf32>
    %get3A_14 = vector.shape_cast %get3A_13 : vector<1x64xf32> to vector<64xf32>
    %get3A_15 = arith.constant 0 : index
    %get3A_16 = arith.constant 0 : index
    %get3A_17 = vector.load %arg1[%get3A_15, %get3A_16] : memref<1000x32xf32, #tpu.memory_space<vmem>>, vector<1000x32xf32>
    %get3A_18 = arith.constant 0 : index
    %get3A_19 = arith.constant 0 : index
    %get3A_20 = arith.constant 0 : index
    %get3A_21 = vector.load %arg3[%get3A_18, %get3A_19, %get3A_20] : memref<2x1000x32xf32, #tpu.memory_space<vmem>>, vector<1x1000x32xf32>
    %get3A_22 = vector.shape_cast %get3A_21 : vector<1x1000x32xf32> to vector<1000x32xf32>
    %add3A = arith.addf %get3A_17, %get3A_22 : vector<1000x32xf32>
    %get3A_23 = arith.constant 0 : index
    %get3A_24 = arith.constant 0 : index
    %get3A_25 = vector.load %arg2[%get3A_23, %get3A_24] : memref<1000x32xf32, #tpu.memory_space<vmem>>, vector<1000x32xf32>
    %get3A_26 = arith.constant 1 : index
    %get3A_27 = arith.constant 0 : index
    %get3A_28 = arith.constant 0 : index
    %get3A_29 = vector.load %arg3[%get3A_26, %get3A_27, %get3A_28] : memref<2x1000x32xf32, #tpu.memory_space<vmem>>, vector<1x1000x32xf32>
    %get3A_30 = vector.shape_cast %get3A_29 : vector<1x1000x32xf32> to vector<1000x32xf32>
    %add3A_31 = arith.addf %get3A_25, %get3A_30 : vector<1000x32xf32>
    %concatenate3A = tpu.concatenate %add3A, %add3A_31 in 1 : vector<1000x32xf32>, vector<1000x32xf32> -> vector<1000x64xf32>
    %broadcast_in_dim3A = vector.shape_cast %get3A_2 : vector<64xf32> to vector<1x64xf32>
    %mul3A = vector.broadcast %broadcast_in_dim3A : vector<1x64xf32> to vector<1000x64xf32>
    %mul3A_32 = arith.mulf %concatenate3A, %mul3A : vector<1000x64xf32>
    %broadcast_in_dim3A_33 = vector.shape_cast %get3A_6 : vector<64xf32> to vector<1x64xf32>
    %add3A_34 = vector.broadcast %broadcast_in_dim3A_33 : vector<1x64xf32> to vector<1000x64xf32>
    %add3A_35 = arith.addf %mul3A_32, %add3A_34 : vector<1000x64xf32>
    %max3A = arith.constant 0.000000e+00 : f32
    %max3A_36 = vector.broadcast %max3A : f32 to vector<1000x64xf32>
    %max3A_37 = arith.maximumf %add3A_35, %max3A_36 : vector<1000x64xf32>
    %get3A_38 = arith.constant 0 : index
    %get3A_39 = arith.constant 0 : index
    %get3A_40 = vector.load %arg5[%get3A_38, %get3A_39] : memref<64x64xf32, #tpu.memory_space<vmem>>, vector<64x64xf32>
    %dot_general3A = arith.constant dense<0.000000e+00> : vector<1000x64xf32>
    %dot_general3A_41 = tpu.matmul %max3A_37, %get3A_40, %dot_general3A {dimension_numbers = #tpu.dot_dimension_numbers<[1], [0], [0], [1], [0, 0, 1, 1], [], []>, transpose_lhs_hint = false} : vector<1000x64xf32>, vector<64x64xf32>, vector<1000x64xf32> -> vector<1000x64xf32>
    %broadcast_in_dim3A_42 = vector.shape_cast %get3A_10 : vector<64xf32> to vector<1x64xf32>
    %mul3A_43 = vector.broadcast %broadcast_in_dim3A_42 : vector<1x64xf32> to vector<1000x64xf32>
    %mul3A_44 = arith.mulf %dot_general3A_41, %mul3A_43 : vector<1000x64xf32>
    %broadcast_in_dim3A_45 = vector.shape_cast %get3A_14 : vector<64xf32> to vector<1x64xf32>
    %add3A_46 = vector.broadcast %broadcast_in_dim3A_45 : vector<1x64xf32> to vector<1000x64xf32>
    %add3A_47 = arith.addf %mul3A_44, %add3A_46 : vector<1000x64xf32>
    %max3A_48 = arith.constant 0.000000e+00 : f32
    %max3A_49 = vector.broadcast %max3A_48 : f32 to vector<1000x64xf32>
    %max3A_50 = arith.maximumf %add3A_47, %max3A_49 : vector<1000x64xf32>
    %get3A_51 = arith.constant 0 : index
    %get3A_52 = arith.constant 0 : index
    %get3A_53 = vector.load %arg6[%get3A_51, %get3A_52] : memref<64x32xf32, #tpu.memory_space<vmem>>, vector<64x32xf32>
    %dot_general3A_54 = arith.constant dense<0.000000e+00> : vector<1000x32xf32>
    %dot_general3A_55 = tpu.matmul %max3A_50, %get3A_53, %dot_general3A_54 {dimension_numbers = #tpu.dot_dimension_numbers<[1], [0], [0], [1], [0, 0, 1, 1], [], []>, transpose_lhs_hint = false} : vector<1000x64xf32>, vector<64x32xf32>, vector<1000x32xf32> -> vector<1000x32xf32>
    %swap3A = arith.constant 0 : index
    %swap3A_56 = arith.constant 0 : index
    %swap3A_57 = vector.load %arg9[%swap3A, %swap3A_56] : memref<1000x32xf32, #tpu.memory_space<vmem>>, vector<1000x32xf32>
    tpu.vector_store %arg9[%swap3A, %swap3A_56], %dot_general3A_55 {strides = array<i32>} : memref<1000x32xf32, #tpu.memory_space<vmem>>, vector<1000x32xf32>,
    %get3A_58 = arith.constant 0 : index
    %get3A_59 = arith.constant 0 : index
    %get3A_60 = vector.load %arg7[%get3A_58, %get3A_59] : memref<64x32xf32, #tpu.memory_space<vmem>>, vector<64x32xf32>
    %dot_general3A_61 = arith.constant dense<0.000000e+00> : vector<1000x32xf32>
    %dot_general3A_62 = tpu.matmul %max3A_50, %get3A_60, %dot_general3A_61 {dimension_numbers = #tpu.dot_dimension_numbers<[1], [0], [0], [1], [0, 0, 1, 1], [], []>, transpose_lhs_hint = false} : vector<1000x64xf32>, vector<64x32xf32>, vector<1000x32xf32> -> vector<1000x32xf32>
    %swap3A_63 = arith.constant 0 : index
    %swap3A_64 = arith.constant 0 : index
    %swap3A_65 = vector.load %arg10[%swap3A_63, %swap3A_64] : memref<1000x32xf32, #tpu.memory_space<vmem>>, vector<1000x32xf32>
    tpu.vector_store %arg10[%swap3A_63, %swap3A_64], %dot_general3A_62 {strides = array<i32>} : memref<1000x32xf32, #tpu.memory_space<vmem>>, vector<1000x32xf32>,
    %get3A_66 = arith.constant 0 : index
    %get3A_67 = arith.constant 0 : index
    %get3A_68 = arith.constant 0 : index
    %get3A_69 = vector.load %arg8[%get3A_66, %get3A_67, %get3A_68] : memref<1x1x1000xi32, #tpu.memory_space<vmem>>, vector<1x1x1000xi32>
    %get3A_70 = vector.shape_cast %get3A_69 : vector<1x1x1000xi32> to vector<1000xi32>
    %iota3A = tpu.iota {dimensions = array<i32: 0>} : vector<64x1000xi32>
    %broadcast_in_dim3A_71 = vector.shape_cast %get3A_70 : vector<1000xi32> to vector<1x1000xi32>
    %eq3A = vector.broadcast %broadcast_in_dim3A_71 : vector<1x1000xi32> to vector<64x1000xi32>
    %eq3A_72 = arith.cmpi eq, %iota3A, %eq3A : vector<64x1000xi32>
    %convert_element_type3A = arith.extui %eq3A_72 : vector<64x1000xi1> to vector<64x1000xi32>
    %convert_element_type3A_73 = arith.sitofp %convert_element_type3A : vector<64x1000xi32> to vector<64x1000xf32>
    %dot_general3A_74 = arith.constant dense<0.000000e+00> : vector<64x64xf32>
    %dot_general3A_75 = tpu.matmul %convert_element_type3A_73, %max3A_50, %dot_general3A_74 {dimension_numbers = #tpu.dot_dimension_numbers<[1], [0], [0], [1], [0, 0, 1, 1], [], []>, transpose_lhs_hint = false} : vector<64x1000xf32>, vector<1000x64xf32>, vector<64x64xf32> -> vector<64x64xf32>
    %eq3A_76 = arith.constant 0 : i32
    %eq3A_77 = arith.cmpi eq, %arg0, %eq3A_76 : i32
    %convert_element_type3A_78 = arith.extui %eq3A_77 : i1 to i32
    %cond3A = arith.constant 0 : i32
    %cond3A_79 = arith.cmpi ne, %convert_element_type3A_78, %cond3A : i32
    scf.if %cond3A_79 {
      %broadcast_in_dim3A_87 = arith.constant 0.000000e+00 : f32
      %broadcast_in_dim3A_88 = vector.broadcast %broadcast_in_dim3A_87 : f32 to vector<64x64xf32>
      %swap3A_89 = arith.constant 0 : index
      %swap3A_90 = arith.constant 0 : index
      %swap3A_91 = vector.load %arg11[%swap3A_89, %swap3A_90] : memref<64x64xf32, #tpu.memory_space<vmem>>, vector<64x64xf32>
      tpu.vector_store %arg11[%swap3A_89, %swap3A_90], %broadcast_in_dim3A_88 {strides = array<i32>} : memref<64x64xf32, #tpu.memory_space<vmem>>, vector<64x64xf32>,
    } else {
    }
    %get3A_80 = arith.constant 0 : index
    %get3A_81 = arith.constant 0 : index
    %get3A_82 = vector.load %arg11[%get3A_80, %get3A_81] : memref<64x64xf32, #tpu.memory_space<vmem>>, vector<64x64xf32>
    %add3A_83 = arith.addf %get3A_82, %dot_general3A_75 : vector<64x64xf32>
    %swap3A_84 = arith.constant 0 : index
    %swap3A_85 = arith.constant 0 : index
    %swap3A_86 = vector.load %arg11[%swap3A_84, %swap3A_85] : memref<64x64xf32, #tpu.memory_space<vmem>>, vector<64x64xf32>
    tpu.vector_store %arg11[%swap3A_84, %swap3A_85], %add3A_83 {strides = array<i32>} : memref<64x64xf32, #tpu.memory_space<vmem>>, vector<64x64xf32>,
    return
  }
  func.func @transform_0(%arg0: i32) -> (i32, i32) {
    %c0_i32 = arith.constant 0 : i32
    %c0_i32_0 = arith.constant 0 : i32
    return %arg0, %c0_i32 : i32, i32
  }
  func.func @transform_1(%arg0: i32) -> (i32, i32) {
    %c0_i32 = arith.constant 0 : i32
    %c0_i32_0 = arith.constant 0 : i32
    return %arg0, %c0_i32 : i32, i32
  }
  func.func @transform_2(%arg0: i32) -> (i32, i32, i32) {
    %c0_i32 = arith.constant 0 : i32
    %c0_i32_0 = arith.constant 0 : i32
    %c0_i32_1 = arith.constant 0 : i32
    return %c0_i32, %arg0, %c0_i32_0 : i32, i32, i32
  }
  func.func @transform_3(%arg0: i32) -> (i32, i32) {
    %c0_i32 = arith.constant 0 : i32
    %c0_i32_0 = arith.constant 0 : i32
    %c0_i32_1 = arith.constant 0 : i32
    return %c0_i32, %c0_i32_0 : i32, i32
  }
  func.func @transform_4(%arg0: i32) -> (i32, i32) {
    %c0_i32 = arith.constant 0 : i32
    %c0_i32_0 = arith.constant 0 : i32
    %c0_i32_1 = arith.constant 0 : i32
    return %c0_i32, %c0_i32_0 : i32, i32
  }
  func.func @transform_5(%arg0: i32) -> (i32, i32) {
    %c0_i32 = arith.constant 0 : i32
    %c0_i32_0 = arith.constant 0 : i32
    %c0_i32_1 = arith.constant 0 : i32
    return %c0_i32, %c0_i32_0 : i32, i32
  }
  func.func @transform_6(%arg0: i32) -> (i32, i32) {
    %c0_i32 = arith.constant 0 : i32
    %c0_i32_0 = arith.constant 0 : i32
    %c0_i32_1 = arith.constant 0 : i32
    return %c0_i32, %c0_i32_0 : i32, i32
  }
  func.func @transform_7(%arg0: i32) -> (i32, i32, i32) {
    %c0_i32 = arith.constant 0 : i32
    %c0_i32_0 = arith.constant 0 : i32
    %c0_i32_1 = arith.constant 0 : i32
    return %arg0, %c0_i32, %c0_i32_0 : i32, i32, i32
  }
  func.func @transform_8(%arg0: i32) -> (i32, i32) {
    %c0_i32 = arith.constant 0 : i32
    %c0_i32_0 = arith.constant 0 : i32
    return %arg0, %c0_i32 : i32, i32
  }
  func.func @transform_9(%arg0: i32) -> (i32, i32) {
    %c0_i32 = arith.constant 0 : i32
    %c0_i32_0 = arith.constant 0 : i32
    return %arg0, %c0_i32 : i32, i32
  }
  func.func @transform_10(%arg0: i32) -> (i32, i32) {
    %c0_i32 = arith.constant 0 : i32
    %c0_i32_0 = arith.constant 0 : i32
    %c0_i32_1 = arith.constant 0 : i32
    return %c0_i32, %c0_i32_0 : i32, i32
  }
}

module attributes {stable_mosaic.version = 14 : i64} {
  func.func @_tail_body(%arg0: i32, %arg1: memref<1000x32xf32, #tpu.memory_space<vmem>>, %arg2: memref<1000x32xf32, #tpu.memory_space<vmem>>, %arg3: memref<2x1000x32xf32, #tpu.memory_space<vmem>>, %arg4: memref<8x64xf32, #tpu.memory_space<vmem>>, %arg5: memref<64x64xf32, #tpu.memory_space<vmem>>, %arg6: memref<64x32xf32, #tpu.memory_space<vmem>>, %arg7: memref<64x32xf32, #tpu.memory_space<vmem>>, %arg8: memref<1x1x1000xi32, #tpu.memory_space<vmem>>, %arg9: memref<64x64xf32, #tpu.memory_space<vmem>>) attributes {dimension_semantics = [#tpu.dimension_semantics<arbitrary>], iteration_bounds = array<i64: 10>, scalar_prefetch = 0 : i64, scratch_operands = 0 : i64, tpu.core_type = #tpu.core_type<tc>, window_params = [{transform_indices = @transform_0, window_bounds = array<i64: 1000, 32>}, {transform_indices = @transform_1, window_bounds = array<i64: 1000, 32>}, {transform_indices = @transform_2, window_bounds = array<i64: 2, 1000, 32>}, {pipeline_mode = #tpu.pipeline_mode<synchronous>, transform_indices = @transform_3, window_bounds = array<i64: 8, 64>}, {pipeline_mode = #tpu.pipeline_mode<synchronous>, transform_indices = @transform_4, window_bounds = array<i64: 64, 64>}, {pipeline_mode = #tpu.pipeline_mode<synchronous>, transform_indices = @transform_5, window_bounds = array<i64: 64, 32>}, {pipeline_mode = #tpu.pipeline_mode<synchronous>, transform_indices = @transform_6, window_bounds = array<i64: 64, 32>}, {transform_indices = @transform_7, window_bounds = array<i64: 1, 1, 1000>}, {pipeline_mode = #tpu.pipeline_mode<synchronous>, transform_indices = @transform_8, window_bounds = array<i64: 64, 64>}]} {
    %get3A = arith.constant 0 : index
    %get3A_0 = arith.constant 0 : index
    %get3A_1 = vector.load %arg4[%get3A, %get3A_0] : memref<8x64xf32, #tpu.memory_space<vmem>>, vector<1x64xf32>
    %get3A_2 = vector.shape_cast %get3A_1 : vector<1x64xf32> to vector<64xf32>
    %get3A_3 = arith.constant 1 : index
    %get3A_4 = arith.constant 0 : index
    %get3A_5 = vector.load %arg4[%get3A_3, %get3A_4] : memref<8x64xf32, #tpu.memory_space<vmem>>, vector<1x64xf32>
    %get3A_6 = vector.shape_cast %get3A_5 : vector<1x64xf32> to vector<64xf32>
    %get3A_7 = arith.constant 2 : index
    %get3A_8 = arith.constant 0 : index
    %get3A_9 = vector.load %arg4[%get3A_7, %get3A_8] : memref<8x64xf32, #tpu.memory_space<vmem>>, vector<1x64xf32>
    %get3A_10 = vector.shape_cast %get3A_9 : vector<1x64xf32> to vector<64xf32>
    %get3A_11 = arith.constant 3 : index
    %get3A_12 = arith.constant 0 : index
    %get3A_13 = vector.load %arg4[%get3A_11, %get3A_12] : memref<8x64xf32, #tpu.memory_space<vmem>>, vector<1x64xf32>
    %get3A_14 = vector.shape_cast %get3A_13 : vector<1x64xf32> to vector<64xf32>
    %get3A_15 = arith.constant 0 : index
    %get3A_16 = arith.constant 0 : index
    %get3A_17 = vector.load %arg1[%get3A_15, %get3A_16] : memref<1000x32xf32, #tpu.memory_space<vmem>>, vector<1000x32xf32>
    %get3A_18 = arith.constant 0 : index
    %get3A_19 = arith.constant 0 : index
    %get3A_20 = arith.constant 0 : index
    %get3A_21 = vector.load %arg3[%get3A_18, %get3A_19, %get3A_20] : memref<2x1000x32xf32, #tpu.memory_space<vmem>>, vector<1x1000x32xf32>
    %get3A_22 = vector.shape_cast %get3A_21 : vector<1x1000x32xf32> to vector<1000x32xf32>
    %add3A = arith.addf %get3A_17, %get3A_22 : vector<1000x32xf32>
    %get3A_23 = arith.constant 0 : index
    %get3A_24 = arith.constant 0 : index
    %get3A_25 = vector.load %arg2[%get3A_23, %get3A_24] : memref<1000x32xf32, #tpu.memory_space<vmem>>, vector<1000x32xf32>
    %get3A_26 = arith.constant 1 : index
    %get3A_27 = arith.constant 0 : index
    %get3A_28 = arith.constant 0 : index
    %get3A_29 = vector.load %arg3[%get3A_26, %get3A_27, %get3A_28] : memref<2x1000x32xf32, #tpu.memory_space<vmem>>, vector<1x1000x32xf32>
    %get3A_30 = vector.shape_cast %get3A_29 : vector<1x1000x32xf32> to vector<1000x32xf32>
    %add3A_31 = arith.addf %get3A_25, %get3A_30 : vector<1000x32xf32>
    %concatenate3A = tpu.concatenate %add3A, %add3A_31 in 1 : vector<1000x32xf32>, vector<1000x32xf32> -> vector<1000x64xf32>
    %broadcast_in_dim3A = vector.shape_cast %get3A_2 : vector<64xf32> to vector<1x64xf32>
    %mul3A = vector.broadcast %broadcast_in_dim3A : vector<1x64xf32> to vector<1000x64xf32>
    %mul3A_32 = arith.mulf %concatenate3A, %mul3A : vector<1000x64xf32>
    %broadcast_in_dim3A_33 = vector.shape_cast %get3A_6 : vector<64xf32> to vector<1x64xf32>
    %add3A_34 = vector.broadcast %broadcast_in_dim3A_33 : vector<1x64xf32> to vector<1000x64xf32>
    %add3A_35 = arith.addf %mul3A_32, %add3A_34 : vector<1000x64xf32>
    %max3A = arith.constant 0.000000e+00 : f32
    %max3A_36 = vector.broadcast %max3A : f32 to vector<1000x64xf32>
    %max3A_37 = arith.maximumf %add3A_35, %max3A_36 : vector<1000x64xf32>
    %get3A_38 = arith.constant 0 : index
    %get3A_39 = arith.constant 0 : index
    %get3A_40 = vector.load %arg5[%get3A_38, %get3A_39] : memref<64x64xf32, #tpu.memory_space<vmem>>, vector<64x64xf32>
    %dot_general3A = arith.constant dense<0.000000e+00> : vector<1000x64xf32>
    %dot_general3A_41 = tpu.matmul %max3A_37, %get3A_40, %dot_general3A {dimension_numbers = #tpu.dot_dimension_numbers<[1], [0], [0], [1], [0, 0, 1, 1], [], []>, transpose_lhs_hint = false} : vector<1000x64xf32>, vector<64x64xf32>, vector<1000x64xf32> -> vector<1000x64xf32>
    %broadcast_in_dim3A_42 = vector.shape_cast %get3A_10 : vector<64xf32> to vector<1x64xf32>
    %mul3A_43 = vector.broadcast %broadcast_in_dim3A_42 : vector<1x64xf32> to vector<1000x64xf32>
    %mul3A_44 = arith.mulf %dot_general3A_41, %mul3A_43 : vector<1000x64xf32>
    %broadcast_in_dim3A_45 = vector.shape_cast %get3A_14 : vector<64xf32> to vector<1x64xf32>
    %add3A_46 = vector.broadcast %broadcast_in_dim3A_45 : vector<1x64xf32> to vector<1000x64xf32>
    %add3A_47 = arith.addf %mul3A_44, %add3A_46 : vector<1000x64xf32>
    %max3A_48 = arith.constant 0.000000e+00 : f32
    %max3A_49 = vector.broadcast %max3A_48 : f32 to vector<1000x64xf32>
    %max3A_50 = arith.maximumf %add3A_47, %max3A_49 : vector<1000x64xf32>
    %get3A_51 = arith.constant 0 : index
    %get3A_52 = arith.constant 0 : index
    %get3A_53 = arith.constant 0 : index
    %get3A_54 = vector.load %arg8[%get3A_51, %get3A_52, %get3A_53] : memref<1x1x1000xi32, #tpu.memory_space<vmem>>, vector<1x1x1000xi32>
    %get3A_55 = vector.shape_cast %get3A_54 : vector<1x1x1000xi32> to vector<1000xi32>
    %iota3A = tpu.iota {dimensions = array<i32: 0>} : vector<64x1000xi32>
    %broadcast_in_dim3A_56 = vector.shape_cast %get3A_55 : vector<1000xi32> to vector<1x1000xi32>
    %eq3A = vector.broadcast %broadcast_in_dim3A_56 : vector<1x1000xi32> to vector<64x1000xi32>
    %eq3A_57 = arith.cmpi eq, %iota3A, %eq3A : vector<64x1000xi32>
    %convert_element_type3A = arith.extui %eq3A_57 : vector<64x1000xi1> to vector<64x1000xi32>
    %convert_element_type3A_58 = arith.sitofp %convert_element_type3A : vector<64x1000xi32> to vector<64x1000xf32>
    %dot_general3A_59 = arith.constant dense<0.000000e+00> : vector<64x64xf32>
    %dot_general3A_60 = tpu.matmul %convert_element_type3A_58, %max3A_50, %dot_general3A_59 {dimension_numbers = #tpu.dot_dimension_numbers<[1], [0], [0], [1], [0, 0, 1, 1], [], []>, transpose_lhs_hint = false} : vector<64x1000xf32>, vector<1000x64xf32>, vector<64x64xf32> -> vector<64x64xf32>
    %eq3A_61 = arith.constant 0 : i32
    %eq3A_62 = arith.cmpi eq, %arg0, %eq3A_61 : i32
    %convert_element_type3A_63 = arith.extui %eq3A_62 : i1 to i32
    %cond3A = arith.constant 0 : i32
    %cond3A_64 = arith.cmpi ne, %convert_element_type3A_63, %cond3A : i32
    scf.if %cond3A_64 {
      %broadcast_in_dim3A_71 = arith.constant 0.000000e+00 : f32
      %broadcast_in_dim3A_72 = vector.broadcast %broadcast_in_dim3A_71 : f32 to vector<64x64xf32>
      %swap3A_73 = arith.constant 0 : index
      %swap3A_74 = arith.constant 0 : index
      %swap3A_75 = vector.load %arg9[%swap3A_73, %swap3A_74] : memref<64x64xf32, #tpu.memory_space<vmem>>, vector<64x64xf32>
      tpu.vector_store %arg9[%swap3A_73, %swap3A_74], %broadcast_in_dim3A_72 {strides = array<i32>} : memref<64x64xf32, #tpu.memory_space<vmem>>, vector<64x64xf32>,
    } else {
    }
    %get3A_65 = arith.constant 0 : index
    %get3A_66 = arith.constant 0 : index
    %get3A_67 = vector.load %arg9[%get3A_65, %get3A_66] : memref<64x64xf32, #tpu.memory_space<vmem>>, vector<64x64xf32>
    %add3A_68 = arith.addf %get3A_67, %dot_general3A_60 : vector<64x64xf32>
    %swap3A = arith.constant 0 : index
    %swap3A_69 = arith.constant 0 : index
    %swap3A_70 = vector.load %arg9[%swap3A, %swap3A_69] : memref<64x64xf32, #tpu.memory_space<vmem>>, vector<64x64xf32>
    tpu.vector_store %arg9[%swap3A, %swap3A_69], %add3A_68 {strides = array<i32>} : memref<64x64xf32, #tpu.memory_space<vmem>>, vector<64x64xf32>,
    return
  }
  func.func @transform_0(%arg0: i32) -> (i32, i32) {
    %c0_i32 = arith.constant 0 : i32
    %c0_i32_0 = arith.constant 0 : i32
    return %arg0, %c0_i32 : i32, i32
  }
  func.func @transform_1(%arg0: i32) -> (i32, i32) {
    %c0_i32 = arith.constant 0 : i32
    %c0_i32_0 = arith.constant 0 : i32
    return %arg0, %c0_i32 : i32, i32
  }
  func.func @transform_2(%arg0: i32) -> (i32, i32, i32) {
    %c0_i32 = arith.constant 0 : i32
    %c0_i32_0 = arith.constant 0 : i32
    %c0_i32_1 = arith.constant 0 : i32
    return %c0_i32, %arg0, %c0_i32_0 : i32, i32, i32
  }
  func.func @transform_3(%arg0: i32) -> (i32, i32) {
    %c0_i32 = arith.constant 0 : i32
    %c0_i32_0 = arith.constant 0 : i32
    %c0_i32_1 = arith.constant 0 : i32
    return %c0_i32, %c0_i32_0 : i32, i32
  }
  func.func @transform_4(%arg0: i32) -> (i32, i32) {
    %c0_i32 = arith.constant 0 : i32
    %c0_i32_0 = arith.constant 0 : i32
    %c0_i32_1 = arith.constant 0 : i32
    return %c0_i32, %c0_i32_0 : i32, i32
  }
  func.func @transform_5(%arg0: i32) -> (i32, i32) {
    %c0_i32 = arith.constant 0 : i32
    %c0_i32_0 = arith.constant 0 : i32
    %c0_i32_1 = arith.constant 0 : i32
    return %c0_i32, %c0_i32_0 : i32, i32
  }
  func.func @transform_6(%arg0: i32) -> (i32, i32) {
    %c0_i32 = arith.constant 0 : i32
    %c0_i32_0 = arith.constant 0 : i32
    %c0_i32_1 = arith.constant 0 : i32
    return %c0_i32, %c0_i32_0 : i32, i32
  }
  func.func @transform_7(%arg0: i32) -> (i32, i32, i32) {
    %c0_i32 = arith.constant 0 : i32
    %c0_i32_0 = arith.constant 0 : i32
    %c0_i32_1 = arith.constant 0 : i32
    return %arg0, %c0_i32, %c0_i32_0 : i32, i32, i32
  }
  func.func @transform_8(%arg0: i32) -> (i32, i32) {
    %c0_i32 = arith.constant 0 : i32
    %c0_i32_0 = arith.constant 0 : i32
    %c0_i32_1 = arith.constant 0 : i32
    return %c0_i32, %c0_i32_0 : i32, i32
  }
}

module attributes {stable_mosaic.version = 14 : i64} {
  func.func @_cls_body(%arg0: memref<64x64xf32, #tpu.memory_space<vmem>>, %arg1: memref<64x64xf32, #tpu.memory_space<vmem>>, %arg2: memref<64x64xf32, #tpu.memory_space<vmem>>, %arg3: memref<64x64xf32, #tpu.memory_space<vmem>>, %arg4: memref<64x64xf32, #tpu.memory_space<vmem>>, %arg5: memref<64x64xf32, #tpu.memory_space<vmem>>, %arg6: memref<1x64xf32, #tpu.memory_space<vmem>>, %arg7: memref<64x2xf32, #tpu.memory_space<vmem>>, %arg8: memref<1x2xf32, #tpu.memory_space<vmem>>, %arg9: memref<64x2xf32, #tpu.memory_space<vmem>>) attributes {dimension_semantics = [], scalar_prefetch = 0 : i64, scratch_operands = 0 : i64, tpu.core_type = #tpu.core_type<tc>} {
    %get3A = arith.constant 0 : index
    %get3A_0 = arith.constant 0 : index
    %get3A_1 = vector.load %arg0[%get3A, %get3A_0] : memref<64x64xf32, #tpu.memory_space<vmem>>, vector<64x64xf32>
    %get3A_2 = arith.constant 0 : index
    %get3A_3 = arith.constant 0 : index
    %get3A_4 = vector.load %arg3[%get3A_2, %get3A_3] : memref<64x64xf32, #tpu.memory_space<vmem>>, vector<64x64xf32>
    %dot_general3A = arith.constant dense<0.000000e+00> : vector<64x64xf32>
    %dot_general3A_5 = tpu.matmul %get3A_1, %get3A_4, %dot_general3A {dimension_numbers = #tpu.dot_dimension_numbers<[1], [0], [0], [1], [0, 0, 1, 1], [], []>, transpose_lhs_hint = false} : vector<64x64xf32>, vector<64x64xf32>, vector<64x64xf32> -> vector<64x64xf32>
    %get3A_6 = arith.constant 0 : index
    %get3A_7 = arith.constant 0 : index
    %get3A_8 = vector.load %arg1[%get3A_6, %get3A_7] : memref<64x64xf32, #tpu.memory_space<vmem>>, vector<64x64xf32>
    %get3A_9 = arith.constant 0 : index
    %get3A_10 = arith.constant 0 : index
    %get3A_11 = vector.load %arg4[%get3A_9, %get3A_10] : memref<64x64xf32, #tpu.memory_space<vmem>>, vector<64x64xf32>
    %dot_general3A_12 = arith.constant dense<0.000000e+00> : vector<64x64xf32>
    %dot_general3A_13 = tpu.matmul %get3A_8, %get3A_11, %dot_general3A_12 {dimension_numbers = #tpu.dot_dimension_numbers<[1], [0], [0], [1], [0, 0, 1, 1], [], []>, transpose_lhs_hint = false} : vector<64x64xf32>, vector<64x64xf32>, vector<64x64xf32> -> vector<64x64xf32>
    %add3A = arith.addf %dot_general3A_5, %dot_general3A_13 : vector<64x64xf32>
    %get3A_14 = arith.constant 0 : index
    %get3A_15 = arith.constant 0 : index
    %get3A_16 = vector.load %arg2[%get3A_14, %get3A_15] : memref<64x64xf32, #tpu.memory_space<vmem>>, vector<64x64xf32>
    %get3A_17 = arith.constant 0 : index
    %get3A_18 = arith.constant 0 : index
    %get3A_19 = vector.load %arg5[%get3A_17, %get3A_18] : memref<64x64xf32, #tpu.memory_space<vmem>>, vector<64x64xf32>
    %dot_general3A_20 = arith.constant dense<0.000000e+00> : vector<64x64xf32>
    %dot_general3A_21 = tpu.matmul %get3A_16, %get3A_19, %dot_general3A_20 {dimension_numbers = #tpu.dot_dimension_numbers<[1], [0], [0], [1], [0, 0, 1, 1], [], []>, transpose_lhs_hint = false} : vector<64x64xf32>, vector<64x64xf32>, vector<64x64xf32> -> vector<64x64xf32>
    %add3A_22 = arith.addf %add3A, %dot_general3A_21 : vector<64x64xf32>
    %get3A_23 = arith.constant 0 : index
    %get3A_24 = arith.constant 0 : index
    %get3A_25 = vector.load %arg6[%get3A_23, %get3A_24] : memref<1x64xf32, #tpu.memory_space<vmem>>, vector<1x64xf32>
    %add3A_26 = vector.broadcast %get3A_25 : vector<1x64xf32> to vector<64x64xf32>
    %add3A_27 = arith.addf %add3A_22, %add3A_26 : vector<64x64xf32>
    %max3A = arith.constant 0.000000e+00 : f32
    %max3A_28 = vector.broadcast %max3A : f32 to vector<64x64xf32>
    %max3A_29 = arith.maximumf %add3A_27, %max3A_28 : vector<64x64xf32>
    %get3A_30 = arith.constant 0 : index
    %get3A_31 = arith.constant 0 : index
    %get3A_32 = vector.load %arg7[%get3A_30, %get3A_31] : memref<64x2xf32, #tpu.memory_space<vmem>>, vector<64x2xf32>
    %dot_general3A_33 = arith.constant dense<0.000000e+00> : vector<64x2xf32>
    %dot_general3A_34 = tpu.matmul %max3A_29, %get3A_32, %dot_general3A_33 {dimension_numbers = #tpu.dot_dimension_numbers<[1], [0], [0], [1], [0, 0, 1, 1], [], []>, transpose_lhs_hint = false} : vector<64x64xf32>, vector<64x2xf32>, vector<64x2xf32> -> vector<64x2xf32>
    %get3A_35 = arith.constant 0 : index
    %get3A_36 = arith.constant 0 : index
    %get3A_37 = vector.load %arg8[%get3A_35, %get3A_36] : memref<1x2xf32, #tpu.memory_space<vmem>>, vector<1x2xf32>
    %add3A_38 = vector.broadcast %get3A_37 : vector<1x2xf32> to vector<64x2xf32>
    %add3A_39 = arith.addf %dot_general3A_34, %add3A_38 : vector<64x2xf32>
    %swap3A = arith.constant 0 : index
    %swap3A_40 = arith.constant 0 : index
    %swap3A_41 = vector.load %arg9[%swap3A, %swap3A_40] : memref<64x2xf32, #tpu.memory_space<vmem>>, vector<64x2xf32>
    tpu.vector_store %arg9[%swap3A, %swap3A_40], %add3A_39 {strides = array<i32>} : memref<64x2xf32, #tpu.memory_space<vmem>>, vector<64x2xf32>,
    return
  }
}

</mosaic_0001>

<sc_bundles>
// kernel: kernel.10.cloned.1.call-start
scs
__scs_entry_jumppad:
0x0: {  	(pc) =	sbr.rel $0x88, $3  }
0x1: {  	(tag) =	ssettag $0x0;
	lr =	simm.s32 $0x1  }
0x2: {  	[smem:$0x3F82] =	sst lr;
	_ =	strace $0xD0000000  }
0x3: {  	_ = 	snop  }
0x4: {  	_ = 	snop  }
0x5: {  	_ = 	snop  }
0x6: {  	_ = 	snop  }
0x7: {  	_ = 	snop  }
__scs_overlays_trampoline_lowered:
0x8: {  	[smem:$0x3F91] =	sst s0  }
0x9: {  	[smem:$0x3F92] =	sst s1  }
0xa: {  	[smem:$0x3F93] =	sst s2  }
0xb: {  	[smem:$0x3F94] =	sst s3  }
0xc: {  	[smem:$0x3F95] =	sst s4  }
0xd: {  	[smem:$0x3F96] =	sst s5  }
0xe: {  	[smem:$0x3F97] =	sst s6  }
0xf: {  	[smem:$0x3F98] =	sst s7  }
0x10: {  	[smem:$0x3F99] =	sst s8  }
0x11: {  	[smem:$0x3F9A] =	sst s9;
	s0 =	simm.s32 @!p0 $0x0  }
0x12: {  	s1 =	sld [smem:$0x3F80];
	s0 =	simm.s32 @p0 $0x1  }
0x13: {  	[smem:$0x3F9B] =	sst s0;
	s0 =	simm.s32 @!p1 $0x0  }
0x14: {  	s2 =	sld [smem:$0x3F7F];
	s0 =	simm.s32 @p1 $0x1  }
0x15: {  	[smem:$0x3F9C] =	sst s0;
	s0 =	simm.s32 @!p2 $0x0  }
0x16: {  	s3 =	sld [smem:$0x3FDB];
	s0 =	simm.s32 @p2 $0x1  }
0x17: {  	s4 =	simm.s32 $0x1BF5;
	[smem:$0x3F9E] =	sst s0  }
0x18: {  	s0 =	sld [smem:$0x3F81];
	_ =	swait.ge [sflag:s4], $0x0  }
0x19: {  	s7 =	sld [smem:$0x3F82]  }
0x1a: {  	s8 =	sadd.s32 $0xFFFFE003, lr  }
0x1b: {  	s9 =	sadd.s32 $0xFFFFFEF7, lr;
	s5 =	simm.s32 $0xFFFFFFFF;
	p2 =	slt.u32 s8, $0xFFFFF086  }
0x1c: {  	p1 =	slt.u32 s9, $0xF7A;
	s5 =	simm.s32 @!p2 $0x0  }
0x1d: {  	s5 =	simm.s32 @p1 $0x1;
	p0 =	seq.s32 s7, s2  }
0x1e: {  	s7 =	smul.u32 @!p0 $0xF7A, s2;
	p2 =	seq.s32 @!p0 s5, $0x0  }
0x1f: {  	s9 =	smul.u32 $0xF7A, s1;
	s8 =	simm.s32 @!p0 $0x1BF5;
	p2 =	por !p2, p0  }
0x20: {  	[sflag:s8] =	ssyncset.s32 @!p0 $0xFFFFF086;
	s6 =	sadd.s32 @!p0 s3, s7;
	s7 =	simm.s32 @!p0 $0x108  }
0x21: {  	s3 =	sadd.s32 s3, s9;
	s6 =	sadd.s32 @!p0 $0x88, s6;
	s7 =	simm.s32 @p2 $0x1082  }
0x22: {  	[simem:s7], [sflag:s8] =	dma.local @!p0 [hbm:s6], $0xF7A  }
0x23: {  	s9 =	sor.u32 $0xD0000000, s2;
	s6 =	simm.s32 $0x108;
	_ =	swait.ge @!p0 [sflag:s8], $0x0  }
0x24: {  	s3 =	sadd.s32 $0x88, s3;
	s6 =	simm.s32 @!p1 $0x1082;
	[sflag:s4] =	ssyncset.s32 $0xFFFFF086  }
0x25: {  	[simem:s6], [sflag:s4] =	dma.local [hbm:s3], $0xF7A  }
0x26: {  	[smem:$0x3F82] =	sst s1;
	(tag) =	ssettag s2;
	_ =	strace s9  }
0x27: {  	s1 =	sld [smem:$0x3F92]  }
0x28: {  	s2 =	sld [smem:$0x3F93]  }
0x29: {  	s4 =	sld [smem:$0x3F95]  }
0x2a: {  	p0 =	seq.s32 s5, $0x0;
	s5 =	sld [smem:$0x3F96]  }
0x2b: {  	s6 =	sld [smem:$0x3F97]  }
0x2c: {  	s7 =	sld [smem:$0x3F98]  }
0x2d: {  	s3 =	simm.s32 $0x108;
	s8 =	sld [smem:$0x3F99]  }
0x2e: {  	s3 =	simm.s32 @!p0 $0x1082;
	s9 =	sld [smem:$0x3F9A]  }
0x2f: {  	lr =	sadd.s32 s0, s3;
	s0 =	sld [smem:$0x3F91]  }
0x30: {  	s3 =	sld [smem:$0x3F94]  }
0x31: {  	[smem:$0x3F9D] =	sst s10  }
0x32: {  	s10 =	sld [smem:$0x3F9B];
	_ =	sdelay $0x3  }
0x33: {  	p0 =	seq.s32 s10, $0x1;
	s10 =	sld [smem:$0x3F9D];
	_ =	sdelay $0x3  }
0x34: {  	[smem:$0x3F9D] =	sst s10  }
0x35: {  	s10 =	sld [smem:$0x3F9C];
	_ =	sdelay $0x3  }
0x36: {  	p1 =	seq.s32 s10, $0x1;
	s10 =	sld [smem:$0x3F9D];
	_ =	sdelay $0x3  }
0x37: {  	[smem:$0x3F9D] =	sst s10  }
0x38: {  	s10 =	sld [smem:$0x3F9E]  }
0x39: {  	_ = 	snop;
	(pc) =	sbr.ind lr, $3  }
0x3a: {  	_ = 	snop  }
0x3b: {  	_ = 	snop  }
0x3c: {  	p2 =	seq.s32 s10, $0x1;
	s10 =	sld [smem:$0x3F9D]  }
0x3d: {  	_ =	shalt  }
0x3e: {  	_ =	shalt  }
0x3f: {  	_ =	shalt  }
0x40: {  	_ =	shalt  }
0x41: {  	_ =	shalt  }
0x42: {  	_ =	shalt  }
0x43: {  	_ =	shalt  }
0x44: {  	_ =	shalt  }
0x45: {  	_ =	shalt  }
0x46: {  	_ =	shalt  }
0x47: {  	_ =	shalt  }
0x48: {  	_ =	shalt  }
0x49: {  	_ =	shalt  }
0x4a: {  	_ =	shalt  }
0x4b: {  	_ =	shalt  }
0x4c: {  	_ =	shalt  }
0x4d: {  	_ =	shalt  }
0x4e: {  	_ =	shalt  }
0x4f: {  	_ =	shalt  }
0x50: {  	_ =	shalt  }
0x51: {  	_ =	shalt  }
0x52: {  	_ =	shalt  }
0x53: {  	_ =	shalt  }
0x54: {  	_ =	shalt  }
0x55: {  	_ =	shalt  }
0x56: {  	_ =	shalt  }
0x57: {  	_ =	shalt  }
0x58: {  	_ =	shalt  }
0x59: {  	_ =	shalt  }
0x5a: {  	_ =	shalt  }
0x5b: {  	_ =	shalt  }
0x5c: {  	_ =	shalt  }
0x5d: {  	_ =	shalt  }
0x5e: {  	_ =	shalt  }
0x5f: {  	_ =	shalt  }
0x60: {  	_ =	shalt  }
0x61: {  	_ =	shalt  }
0x62: {  	_ =	shalt  }
0x63: {  	_ =	shalt  }
0x64: {  	_ =	shalt  }
0x65: {  	_ =	shalt  }
0x66: {  	_ =	shalt  }
0x67: {  	_ =	shalt  }
0x68: {  	_ =	shalt  }
0x69: {  	_ =	shalt  }
0x6a: {  	_ =	shalt  }
0x6b: {  	_ =	shalt  }
0x6c: {  	_ =	shalt  }
0x6d: {  	_ =	shalt  }
0x6e: {  	_ =	shalt  }
0x6f: {  	_ =	shalt  }
0x70: {  	_ =	shalt  }
0x71: {  	_ =	shalt  }
0x72: {  	_ =	shalt  }
0x73: {  	_ =	shalt  }
0x74: {  	_ =	shalt  }
0x75: {  	_ =	shalt  }
0x76: {  	_ =	shalt  }
0x77: {  	_ =	shalt  }
0x78: {  	_ =	shalt  }
0x79: {  	_ =	shalt  }
0x7a: {  	_ =	shalt  }
0x7b: {  	_ =	shalt  }
0x7c: {  	_ =	shalt  }
0x7d: {  	_ =	shalt  }
0x7e: {  	_ =	shalt  }
0x7f: {  	_ =	shalt  }
0x80: {  	_ =	shalt  }
0x81: {  	_ =	shalt  }
0x82: {  	_ =	shalt  }
0x83: {  	_ =	shalt  }
0x84: {  	_ =	shalt  }
0x85: {  	_ =	shalt  }
0x86: {  	_ =	shalt  }
0x87: {  	_ =	shalt  }
.Lfunc_end0:
.L_simem_size_0:
called_computation_lowered:
.L_overlay_start_0:
0x88: {  	s2 =	sld [smem:$0x3FD9]  }
0x89: {  	s3 =	sld [smem:$0x3FFE];
	_ =	sdelay $0x1  }
0x8a: {  	s1 =	srdreg.scid  }
0x8b: {  	s0 =	sand.u32 $0x1, s1  }
0x8c: {  	s16 =	sshll.u32 s0, $0xA;
	s2 =	sadd.s32 s3, s2  }
0x8d: {  	s2 =	sadd.s32 s2, s16  }
0x8e: {  	[smem:$0x3FA9] =	sst s2  }
0x8f: {  	_ = 	snop  }
0x90: {  	(tm) =	ssettm $0x1  }
0x91: {  	s17 =	sld [smem:$0x3FFB];
	_ =	sdelay $0x3  }
0x92: {  	_ =	strace s17  }
0x93: {  	s2 =	sld [smem:$0x3FFC];
	_ =	sdelay $0x3  }
0x94: {  	_ =	strace s2  }
0x95: {  	s2 =	sld [smem:$0x3FFD];
	_ =	sdelay $0x3  }
0x96: {  	_ =	strace s2  }
0x97: {  	_ =	strace $0x8FFFFFFF  }
0x98: {  	s18 =	sld [smem:$0x3FDB];
	_ =	sdelay $0x1  }
0x99: {  	s19 =	simm.s32 $_scs_section_size  }
0x9a: {  	s4 =	simm.s32 $_size__tile_overlayer_lowered;
	s5 =	simm.s32 $_tile_overlayer_lowered  }
0x9b: {  	s22 =	simm.s32 $0x1BFF;
	s21 =	sshll.u32 s5, $0x1;
	s2 =	sadd.s32 s19, s18  }
0x9c: {  	s6 =	simm.s32 $0x0;
	s20 =	sshll.u32 s4, $0x1;
	s4 =	sadd.s32 s21, s2  }
0x9d: {  	[timem:s6], [sflag:s22] =	dma.local [hbm:s4], s20  }
0x9e: {  	_ =	swait.ge [sflag:s22], s20  }
0x9f: {  	s3 =	ssub.s32 $0x0, s20;
	[sflag:s22] =	ssyncset.done $0x0  }
0xa0: {  	[sflag:s22] =	ssyncadd.s32 s3;
	_ =	sdelay $0x1  }
0xa1: {  	s23 =	simm.s32 $0x1B8B  }
0xa2: {  	_ =	swait.ge [sflag:s23], $0x1  }
0xa3: {  	[sflag:s23] =	ssyncset.done $0x0  }
0xa4: {  	s25 =	simm.s32 $0x1B8E;
	s24 =	sld [smem:$0x3FFE];
	[sflag:s23] =	ssyncadd.s32 $0xFFFFFFFF  }
0xa5: {  	s26 =	simm.s32 $execute0_lowered;
	[smem:$0x3FD2] =	sst s25  }
0xa6: {  	s4 =	sshll.u32 s26, $0x1;
	_ =	strace $0x80000046;
	[dreg:$0x1] =	wrdreg $0xFFFFFFFF  }
0xa7: {  	s28 =	simm.s32 $_size_execute0_lowered;
	s2 =	sadd.s32 s2, s4;
	[dreg:$0x0] =	wrdreg $0x0  }
0xa8: {  	s4 =	sshll.u32 s28, $0x1;
	[dreg:$0x2] =	wrdreg s2  }
0xa9: {  	[dreg:$0x3] =	wrdreg s4  }
0xaa: {  	[dreg:$0x4] =	wrdreg $0xC0  }
0xab: {  	_ =	task [dreg:s6], $0x5FFFF  }
0xac: {  	[dreg:$0x1] =	wrdreg $0xFFFFFFFF  }
0xad: {  	[dreg:$0x0] =	wrdreg $0x60  }
0xae: {  	[dreg:$0x2] =	wrdreg s24  }
0xaf: {  	[dreg:$0x3] =	wrdreg $0x14B200  }
0xb0: {  	[dreg:$0x4] =	wrdreg $0xFD000  }
0xb1: {  	[dreg:$0x5] =	wrdreg $0x9  }
0xb2: {  	_ =	task.clear_ibuf [dreg:s6], $0x6FFFF;
	_ =	strace $0x90000046  }
0xb3: {  	s29 =	simm.s32 $0x9;
	_ =	strace $0x80000048  }
0xb4: {  	_ =	swait.ge [sflag:s29], $0x1  }
0xb5: {  	[sflag:s29] =	ssyncadd.s32 $0xFFFFFFFF  }
0xb6: {  	_ =	strace $0x90000048  }
0xb7: {  	_ =	sfence  }
0xb8: {  	s30 =	sld [smem:$0x0];
	_ =	sdelay $0x2  }
0xb9: {  	s31 =	sshll.u32 s1, $0xD;
	s1 =	sshrl.u32 s1, $0x2  }
0xba: {  	s3 =	sand.u32 $0x4000, s31;
	s1 =	sadd.s32 s1, s30  }
0xbb: {  	s0 =	sor.u32 s3, s0;
	s1 =	sshll.u32 s1, $0x11  }
0xbc: {  	s0 =	sor.u32 s1, s0  }
0xbd: {  	s0 =	sadd.s32 $0x8F2B, s0  }
0xbe: {  	[sflag:s0] =	ssyncadd.remote.s32 $0x1  }
0xbf: {  	_ =	sfence.sel $0xFFFF  }
0xc0: {  	[dreg:$0x0] =	wrdreg $0xFFFFFFFF;
	(pc) =	sbr.abs _section_cstart, $3  }
0xc1: {  	[dreg:$0x1] =	wrdreg $0xFFFFFFFF  }
0xc2: {  	_ =	task.clear_ibuf [dreg:s6], $0x2FFFF;
	_ =	strace $0x9FFFFFFF  }
0xc3: {  	(tm) =	ssettm $0x7FFFFFFF  }
tec
execute0_lowered:
.L_overlay_start_1:
0x0: {  	(tag) =	ssettag $0x1  }
0x1: {  	s8 =	rddreg [dreg:$0x0]  }
0x2: {  	s2 =	rddreg [dreg:$0x1]  }
0x3: {  	s3 =	rddreg [dreg:$0x2]  }
0x4: {  	s0 =	rddreg [dreg:$0x3]  }
0x5: {  	s1 =	stileid.u32;
	s5 =	srdreg.scid;
	s4 =	simm.s32 $0x0  }
0x6: {  	s16 =	simm.s32 $0x4E80;
	s22 =	simm.s32 $0x80;
	s23 =	simm.s32 $0x9D00  }
0x7: {  	s24 =	simm.s32 $0xAD00;
	s25 =	simm.s32 $0x0;
	s12 =	smul.u32 $0x5000, s1  }
0x8: {  	s11 =	sand.u32 $0x1, s5;
	[smem:$0x7FF] =	sst s4;
	s9 =	smul.u32 $0x9D0, s1  }
0x9: {  	s5 =	sadd.s32 $0x5A00, s8;
	s6 =	sadd.s32 $0xF800, s8;
	p4 =	sne.s32 s1, $0xF  }
0xa: {  	p0 =	seq.s32 s1, $0xF;
	s21 =	sadd.s32 $0x4B000, s3;
	s17 =	sshll.u32 s1, $0x6  }
0xb: {  	s7 =	smul.u32 $0x50000, s11;
	_ =	strace $0x80000047;
	s13 =	ssub.s32 $0x2, s11  }
0xc: {  	p1 =	seq.s32 s11, $0x0;
	s17 =	sor.u32 $0x1C01, s17;
	s21 =	sshrl.u32 s21, $0x3  }
0xd: {  	s9 =	sadd.s32 s9, s8;
	s30 =	sshrl.u32 s13, $0x1;
	p2 =	por !p1, !p4  }
0xe: {  	p3 =	por !p1, !p0;
	s31 =	sshrl.u32 s12, $0x3;
	s20 =	sadd.s32 s12, s3  }
0xf: {  	s7 =	sadd.s32 s12, s7;
	s15 =	ssub.s32 s13, s30;
	p1 =	por !p2, !p2  }
0x10: {  	p2 =	por !p3, !p3;
	p3 =	seq.s32 s11, $0x1;
	s11 =	sadd.s32 s5, s31  }
0x11: {  	s19 =	sshrl.u32 s20, $0x3;
	s10 =	sshrl.u32 s7, $0x3;
	s7 =	sadd.s32 $0x2D200, s8  }
0x12: {  	p4 =	por !p4, !p3;
	s14 =	sadd.s32 s10, s8;
	s8 =	sadd.s32 $0x19600, s9  }
0x13: {  	s9 =	sadd.s32 $0x23400, s9;
	s10 =	sadd.s32 s12, s2;
	p4 =	por !p4, !p4  }
0x14: {  	s12 =	sadd.s32 s6, s31;
	s13 =	sadd.s32 $0x2DC00, s14;
	s14 =	smax.u32 s15, $0x1  }
0x15: {  	s15 =	simm.s32 $0x1;
	s18 =	sshrl.u32 s10, $0x3;
	s20 =	sshrl.u32 @p4 s20, $0x3  }
.LBB2_1:
0x16: {  	[tilespmem:s4], [sflag:$0x1] =	stream.linear.gather [hbm4b:s8+s4], $0x4E80, $0x38;
	[tilespmem:$0x19B20] =	vst v63  }
0x17: {  	_ =	swait.ge [sflag:s15], $0x4E80  }
0x18: {  	[sflag:s15] =	ssyncset.done $0x0  }
0x19: {  	[sflag:s15] =	ssyncadd.s32 $0xFFFFB180  }
0x1a: {  	[tilespmem:s16], [sflag:$0x1] =	stream.linear.gather [hbm4b:s9+s4], $0x4E80, $0x38;
	[tilespmem:$0x19B20] =	vst v63  }
0x1b: {  	_ =	swait.ge [sflag:s15], $0x4E80  }
0x1c: {  	[sflag:s15] =	ssyncset.done $0x0  }
.Ltmp0:
0x1d: {  	[sflag:s15] =	ssyncadd.s32 $0xFFFFB180;
	(pc) =	sbr.rel @!p1 .LBB2_3-.Ltmp0, $4  }
0x1e: {  	[spmem:s18], [sflag:s17] =	dma.local [hbm:s7], $0xA00  }
0x1f: {  	_ =	swait.ge [sflag:s15], $0xA00  }
0x20: {  	[sflag:s15] =	ssyncset.done $0x0  }
0x21: {  	[sflag:s15] =	ssyncadd.s32 $0xFFFFF600  }
.Ltmp1:
0x22: {  	(pc) =	sbr.rel .LBB2_4-.Ltmp1, $4  }
0x23: {  	[spmem:s19], [sflag:s17] =	dma.local [hbm:s11], $0xA00  }
0x24: {  	_ =	swait.ge [sflag:s15], $0xA00  }
0x25: {  	[sflag:s15] =	ssyncset.done $0x0  }
0x26: {  	p5 =	por $0x0, $0x0;
	[sflag:s15] =	ssyncadd.s32 $0xFFFFF600  }
.LBB2_3:
.Ltmp2:
0x27: {  	(pc) =	sbr.rel @p2 .LBB2_5-.Ltmp2, $2  }
0x28: {  	_ =	sdelay $0x2  }
0x29: {  	p5 =	por p0, p0;
	s26 =	smov.u32 s5  }
.LBB2_4:
0x2a: {  	[spmem:s20], [sflag:s17] =	dma.local @p4 [hbm:s12], $0xA00  }
0x2b: {  	p6 =	por @p4 $0x1, $0x1  }
0x2c: {  	p6 =	por @!p4 p3, p3  }
0x2d: {  	p5 =	por !p6, !p5  }
0x2e: {  	p5 =	por !p5, !p5  }
.Ltmp3:
0x2f: {  	_ = 	snop;
	(pc) =	sbr.rel @!p5 .LBB2_6-.Ltmp3, $4  }
0x30: {  	s26 =	simm.s32 @p4 $0x1  }
0x31: {  	_ =	swait.ge @p4 [sflag:s26], $0xA00  }
0x32: {  	[sflag:s26] =	ssyncset.done @p4 $0x0  }
0x33: {  	[sflag:s26] =	ssyncadd.s32 @p4 $0xFFFFF600;
	s26 =	smov.u32 s6  }
.LBB2_5:
0x34: {  	s26 =	sadd.s32 $0x9600, s26  }
0x35: {  	[spmem:s21], [sflag:s17] =	dma.local [hbm:s26], $0x640  }
0x36: {  	_ =	swait.ge [sflag:s15], $0x640  }
0x37: {  	[sflag:s15] =	ssyncset.done $0x0  }
0x38: {  	[sflag:s15] =	ssyncadd.s32 $0xFFFFF9C0  }
.LBB2_6:
0x39: {  	[bflag:$0x0] =	sbarrier.arrive $0xFFFF;
	s26 =	simm.s32 $0x0  }
0x3a: {  	[tilespmem:s23], [sflag:$0x1] =	stream.indirect.gather [spmem:s3], $0x20, s26, s22, $0xb8;
	[tilespmem:$0x19B20] =	vst v63  }
0x3b: {  	_ =	swait.ge [sflag:s15], $0x1000  }
0x3c: {  	[sflag:s15] =	ssyncset.done $0x0  }
0x3d: {  	s31 =	simm.s32 $0x4E80;
	[sflag:s15] =	ssyncadd.s32 $0xFFFFF000  }
0x3e: {  	[spmem:s2] =	stream.indirect.scatter.add.f32 [tilespmem:s23], [sflag:$0x1], $0x20, s31, s22, $0xb8;
	[tilespmem:$0x19B20] =	vst v63  }
0x3f: {  	_ =	swait.ge [sflag:s15], $0x1000  }
0x40: {  	s28 =	simm.s32 $0x400;
	s26 =	simm.s32 $0x200;
	[sflag:s15] =	ssyncset.done $0x0  }
.LBB2_7:
0x41: {  	s29 =	sshra.s32 s26, $0x2  }
0x42: {  	[sflag:s15] =	ssyncadd.s32 $0xFFFFF000;
	s26 =	smov.u32 s28;
	s30 =	sadd.s32 $0x200, s28  }
0x43: {  	[tilespmem:s23], [sflag:$0x1] =	stream.indirect.gather [spmem:s3], $0x20, s29, s22, $0xb8;
	[tilespmem:$0x19B20] =	vst v63  }
0x44: {  	p5 =	sne.s32 s28, $0x13800;
	_ =	swait.ge [sflag:s15], $0x1000  }
.Ltmp4:
0x45: {  	[sflag:s15] =	ssyncset.done $0x0;
	(pc) =	sbr.rel @p5 .LBB2_7-.Ltmp4, $4  }
0x46: {  	s28 =	sadd.s32 $0x4E80, s29;
	[sflag:s15] =	ssyncadd.s32 $0xFFFFF000  }
0x47: {  	[spmem:s2] =	stream.indirect.scatter.add.f32 [tilespmem:s23], [sflag:$0x1], $0x20, s28, s22, $0xb8;
	[tilespmem:$0x19B20] =	vst v63  }
0x48: {  	_ =	swait.ge [sflag:s15], $0x1000  }
0x49: {  	s28 =	smov.u32 s30;
	[sflag:s15] =	ssyncset.done $0x0  }
0x4a: {  	s26 =	sshra.s32 s26, $0x2;
	[sflag:s15] =	ssyncadd.s32 $0xFFFFF000  }
0x4b: {  	[tilespmem:s23], [sflag:$0x1] =	stream.indirect.gather [spmem:s3], $0x20, s26, s22, $0xb8;
	[tilespmem:$0x19B20] =	vst v63  }
0x4c: {  	_ =	swait.ge [sflag:s15], $0x1000  }
0x4d: {  	[sflag:s15] =	ssyncset.done $0x0  }
0x4e: {  	s26 =	sadd.s32 $0x4E80, s26;
	[sflag:s15] =	ssyncadd.s32 $0xFFFFF000  }
0x4f: {  	[spmem:s2] =	stream.indirect.scatter.add.f32 [tilespmem:s23], [sflag:$0x1], $0x20, s26, s22, $0xb8;
	[tilespmem:$0x19B20] =	vst v63  }
0x50: {  	_ =	swait.ge [sflag:s15], $0x1000  }
0x51: {  	[sflag:s15] =	ssyncset.done $0x0  }
0x52: {  	[sflag:s15] =	ssyncadd.s32 $0xFFFFF000  }
0x53: {  	[bflag:$0x0] =	sbarrier.arrive $0xFFFF  }
0x54: {  	[tilespmem:s24], [sflag:$0x1] =	stream.linear.gather [spmem:s10], $0x5000, $0x38;
	[tilespmem:$0x19B20] =	vst v63  }
0x55: {  	s25 =	sadd.s32 $0x1, s25;
	_ =	swait.ge [sflag:s15], $0x5000  }
0x56: {  	p5 =	sne.s32 s25, s14;
	[sflag:s15] =	ssyncset.done $0x0  }
.Ltmp5:
0x57: {  	[sflag:s15] =	ssyncadd.s32 $0xFFFFB000;
	(pc) =	sbr.rel @p5 .LBB2_1-.Ltmp5, $4  }
0x58: {  	[hbm4b:s13+s4] =	stream.linear.scatter [tilespmem:s24], [sflag:$0x1], $0x5000, $0x38;
	[tilespmem:$0x19B20] =	vst v63  }
0x59: {  	_ =	swait.ge [sflag:s15], $0x5000  }
0x5a: {  	[sflag:s15] =	ssyncset.done $0x0  }
0x5b: {  	[sflag:s15] =	ssyncadd.s32 $0xFFFFB000  }
0x5c: {  	_ =	sfence.sel $0x180000  }
0x5d: {  	[bflag:$0x0] =	sbarrier.arrive $0xFFFF  }
0x5e: {  	p0 =	sne.s32 s1, $0x0;
	_ =	strace $0x90000047  }
0x5f: {  	s0 =	sadd.s32 @!p0 $0x100000, s0;
	[bflag:$0x2] =	sbarrier.arrive $0xFFFF  }
0x60: {  	[sflag:s0] =	ssyncadd.tile.s32 @!p0 $0x1;
	_ =	shalt  }
.Lfunc_end2:
_tile_overlayer_lowered:
.L_overlay_start_2:
0x61: {  	(tag) =	ssettag $0x2  }
0x62: {  	s0 =	rddreg [dreg:$0x0];
	s2 =	stileid.u32  }
0x63: {  	s1 =	rddreg [dreg:$0x1];
	p0 =	sne.s32 s2, $0x0  }
0x64: {  	s3 =	rddreg [dreg:$0x2];
	[bflag:$0x3] =	sbarrier.arrive $0xFFFF;
	s2 =	simm.s32 @!p0 $0x1C01  }
0x65: {  	[timem:s3], [sflag:s2] =	dma.local @!p0 [hbm:s0], s1  }
0x66: {  	s0 =	simm.s32 @!p0 $0x1  }
0x67: {  	_ =	swait.ge @!p0 [sflag:s0], s1  }
0x68: {  	s1 =	ssub.s32 @!p0 $0x0, s1;
	[sflag:s0] =	ssyncset.done @!p0 $0x0  }
0x69: {  	[sflag:s0] =	ssyncadd.s32 @!p0 s1  }
0x6a: {  	[bflag:$0x3] =	sbarrier.arrive $0xFFFF  }
0x6b: {  	_ =	shalt  }

// kernel: kernel.13.cloned.1.call-start
scs
__scs_entry_jumppad:
0x0: {  	(pc) =	sbr.rel $0x88, $3  }
0x1: {  	(tag) =	ssettag $0x0;
	lr =	simm.s32 $0x1  }
0x2: {  	[smem:$0x3F82] =	sst lr;
	_ =	strace $0xD0000000  }
0x3: {  	_ = 	snop  }
0x4: {  	_ = 	snop  }
0x5: {  	_ = 	snop  }
0x6: {  	_ = 	snop  }
0x7: {  	_ = 	snop  }
__scs_overlays_trampoline_lowered:
0x8: {  	[smem:$0x3F91] =	sst s0  }
0x9: {  	[smem:$0x3F92] =	sst s1  }
0xa: {  	[smem:$0x3F93] =	sst s2  }
0xb: {  	[smem:$0x3F94] =	sst s3  }
0xc: {  	[smem:$0x3F95] =	sst s4  }
0xd: {  	[smem:$0x3F96] =	sst s5  }
0xe: {  	[smem:$0x3F97] =	sst s6  }
0xf: {  	[smem:$0x3F98] =	sst s7  }
0x10: {  	[smem:$0x3F99] =	sst s8  }
0x11: {  	[smem:$0x3F9A] =	sst s9;
	s0 =	simm.s32 @!p0 $0x0  }
0x12: {  	s1 =	sld [smem:$0x3F80];
	s0 =	simm.s32 @p0 $0x1  }
0x13: {  	[smem:$0x3F9B] =	sst s0;
	s0 =	simm.s32 @!p1 $0x0  }
0x14: {  	s2 =	sld [smem:$0x3F7F];
	s0 =	simm.s32 @p1 $0x1  }
0x15: {  	[smem:$0x3F9C] =	sst s0;
	s0 =	simm.s32 @!p2 $0x0  }
0x16: {  	s3 =	sld [smem:$0x3FDB];
	s0 =	simm.s32 @p2 $0x1  }
0x17: {  	s4 =	simm.s32 $0x1BF5;
	[smem:$0x3F9E] =	sst s0  }
0x18: {  	s0 =	sld [smem:$0x3F81];
	_ =	swait.ge [sflag:s4], $0x0  }
0x19: {  	s7 =	sld [smem:$0x3F82]  }
0x1a: {  	s8 =	sadd.s32 $0xFFFFE003, lr  }
0x1b: {  	s9 =	sadd.s32 $0xFFFFFEF7, lr;
	s5 =	simm.s32 $0xFFFFFFFF;
	p2 =	slt.u32 s8, $0xFFFFF086  }
0x1c: {  	p1 =	slt.u32 s9, $0xF7A;
	s5 =	simm.s32 @!p2 $0x0  }
0x1d: {  	s5 =	simm.s32 @p1 $0x1;
	p0 =	seq.s32 s7, s2  }
0x1e: {  	s7 =	smul.u32 @!p0 $0xF7A, s2;
	p2 =	seq.s32 @!p0 s5, $0x0  }
0x1f: {  	s9 =	smul.u32 $0xF7A, s1;
	s8 =	simm.s32 @!p0 $0x1BF5;
	p2 =	por !p2, p0  }
0x20: {  	[sflag:s8] =	ssyncset.s32 @!p0 $0xFFFFF086;
	s6 =	sadd.s32 @!p0 s3, s7;
	s7 =	simm.s32 @!p0 $0x108  }
0x21: {  	s3 =	sadd.s32 s3, s9;
	s6 =	sadd.s32 @!p0 $0x88, s6;
	s7 =	simm.s32 @p2 $0x1082  }
0x22: {  	[simem:s7], [sflag:s8] =	dma.local @!p0 [hbm:s6], $0xF7A  }
0x23: {  	s9 =	sor.u32 $0xD0000000, s2;
	s6 =	simm.s32 $0x108;
	_ =	swait.ge @!p0 [sflag:s8], $0x0  }
0x24: {  	s3 =	sadd.s32 $0x88, s3;
	s6 =	simm.s32 @!p1 $0x1082;
	[sflag:s4] =	ssyncset.s32 $0xFFFFF086  }
0x25: {  	[simem:s6], [sflag:s4] =	dma.local [hbm:s3], $0xF7A  }
0x26: {  	[smem:$0x3F82] =	sst s1;
	(tag) =	ssettag s2;
	_ =	strace s9  }
0x27: {  	s1 =	sld [smem:$0x3F92]  }
0x28: {  	s2 =	sld [smem:$0x3F93]  }
0x29: {  	s4 =	sld [smem:$0x3F95]  }
0x2a: {  	p0 =	seq.s32 s5, $0x0;
	s5 =	sld [smem:$0x3F96]  }
0x2b: {  	s6 =	sld [smem:$0x3F97]  }
0x2c: {  	s7 =	sld [smem:$0x3F98]  }
0x2d: {  	s3 =	simm.s32 $0x108;
	s8 =	sld [smem:$0x3F99]  }
0x2e: {  	s3 =	simm.s32 @!p0 $0x1082;
	s9 =	sld [smem:$0x3F9A]  }
0x2f: {  	lr =	sadd.s32 s0, s3;
	s0 =	sld [smem:$0x3F91]  }
0x30: {  	s3 =	sld [smem:$0x3F94]  }
0x31: {  	[smem:$0x3F9D] =	sst s10  }
0x32: {  	s10 =	sld [smem:$0x3F9B];
	_ =	sdelay $0x3  }
0x33: {  	p0 =	seq.s32 s10, $0x1;
	s10 =	sld [smem:$0x3F9D];
	_ =	sdelay $0x3  }
0x34: {  	[smem:$0x3F9D] =	sst s10  }
0x35: {  	s10 =	sld [smem:$0x3F9C];
	_ =	sdelay $0x3  }
0x36: {  	p1 =	seq.s32 s10, $0x1;
	s10 =	sld [smem:$0x3F9D];
	_ =	sdelay $0x3  }
0x37: {  	[smem:$0x3F9D] =	sst s10  }
0x38: {  	s10 =	sld [smem:$0x3F9E]  }
0x39: {  	_ = 	snop;
	(pc) =	sbr.ind lr, $3  }
0x3a: {  	_ = 	snop  }
0x3b: {  	_ = 	snop  }
0x3c: {  	p2 =	seq.s32 s10, $0x1;
	s10 =	sld [smem:$0x3F9D]  }
0x3d: {  	_ =	shalt  }
0x3e: {  	_ =	shalt  }
0x3f: {  	_ =	shalt  }
0x40: {  	_ =	shalt  }
0x41: {  	_ =	shalt  }
0x42: {  	_ =	shalt  }
0x43: {  	_ =	shalt  }
0x44: {  	_ =	shalt  }
0x45: {  	_ =	shalt  }
0x46: {  	_ =	shalt  }
0x47: {  	_ =	shalt  }
0x48: {  	_ =	shalt  }
0x49: {  	_ =	shalt  }
0x4a: {  	_ =	shalt  }
0x4b: {  	_ =	shalt  }
0x4c: {  	_ =	shalt  }
0x4d: {  	_ =	shalt  }
0x4e: {  	_ =	shalt  }
0x4f: {  	_ =	shalt  }
0x50: {  	_ =	shalt  }
0x51: {  	_ =	shalt  }
0x52: {  	_ =	shalt  }
0x53: {  	_ =	shalt  }
0x54: {  	_ =	shalt  }
0x55: {  	_ =	shalt  }
0x56: {  	_ =	shalt  }
0x57: {  	_ =	shalt  }
0x58: {  	_ =	shalt  }
0x59: {  	_ =	shalt  }
0x5a: {  	_ =	shalt  }
0x5b: {  	_ =	shalt  }
0x5c: {  	_ =	shalt  }
0x5d: {  	_ =	shalt  }
0x5e: {  	_ =	shalt  }
0x5f: {  	_ =	shalt  }
0x60: {  	_ =	shalt  }
0x61: {  	_ =	shalt  }
0x62: {  	_ =	shalt  }
0x63: {  	_ =	shalt  }
0x64: {  	_ =	shalt  }
0x65: {  	_ =	shalt  }
0x66: {  	_ =	shalt  }
0x67: {  	_ =	shalt  }
0x68: {  	_ =	shalt  }
0x69: {  	_ =	shalt  }
0x6a: {  	_ =	shalt  }
0x6b: {  	_ =	shalt  }
0x6c: {  	_ =	shalt  }
0x6d: {  	_ =	shalt  }
0x6e: {  	_ =	shalt  }
0x6f: {  	_ =	shalt  }
0x70: {  	_ =	shalt  }
0x71: {  	_ =	shalt  }
0x72: {  	_ =	shalt  }
0x73: {  	_ =	shalt  }
0x74: {  	_ =	shalt  }
0x75: {  	_ =	shalt  }
0x76: {  	_ =	shalt  }
0x77: {  	_ =	shalt  }
0x78: {  	_ =	shalt  }
0x79: {  	_ =	shalt  }
0x7a: {  	_ =	shalt  }
0x7b: {  	_ =	shalt  }
0x7c: {  	_ =	shalt  }
0x7d: {  	_ =	shalt  }
0x7e: {  	_ =	shalt  }
0x7f: {  	_ =	shalt  }
0x80: {  	_ =	shalt  }
0x81: {  	_ =	shalt  }
0x82: {  	_ =	shalt  }
0x83: {  	_ =	shalt  }
0x84: {  	_ =	shalt  }
0x85: {  	_ =	shalt  }
0x86: {  	_ =	shalt  }
0x87: {  	_ =	shalt  }
.Lfunc_end0:
.L_simem_size_0:
called_computation.1_lowered:
.L_overlay_start_0:
0x88: {  	s2 =	sld [smem:$0x3FD9]  }
0x89: {  	s3 =	sld [smem:$0x3FFE];
	_ =	sdelay $0x1  }
0x8a: {  	s1 =	srdreg.scid  }
0x8b: {  	s0 =	sand.u32 $0x1, s1  }
0x8c: {  	s16 =	sshll.u32 s0, $0xA;
	s2 =	sadd.s32 s3, s2  }
0x8d: {  	s2 =	sadd.s32 s2, s16  }
0x8e: {  	[smem:$0x3FA9] =	sst s2  }
0x8f: {  	_ = 	snop  }
0x90: {  	(tm) =	ssettm $0x1  }
0x91: {  	s17 =	sld [smem:$0x3FFB];
	_ =	sdelay $0x3  }
0x92: {  	_ =	strace s17  }
0x93: {  	s2 =	sld [smem:$0x3FFC];
	_ =	sdelay $0x3  }
0x94: {  	_ =	strace s2  }
0x95: {  	s2 =	sld [smem:$0x3FFD];
	_ =	sdelay $0x3  }
0x96: {  	_ =	strace s2  }
0x97: {  	_ =	strace $0x8FFFFFFF  }
0x98: {  	s18 =	sld [smem:$0x3FDB];
	_ =	sdelay $0x1  }
0x99: {  	s19 =	simm.s32 $_scs_section_size  }
0x9a: {  	s4 =	simm.s32 $_size__tile_overlayer_lowered;
	s5 =	simm.s32 $_tile_overlayer_lowered  }
0x9b: {  	s22 =	simm.s32 $0x1BFF;
	s21 =	sshll.u32 s5, $0x1;
	s2 =	sadd.s32 s19, s18  }
0x9c: {  	s6 =	simm.s32 $0x0;
	s20 =	sshll.u32 s4, $0x1;
	s4 =	sadd.s32 s21, s2  }
0x9d: {  	[timem:s6], [sflag:s22] =	dma.local [hbm:s4], s20  }
0x9e: {  	_ =	swait.ge [sflag:s22], s20  }
0x9f: {  	s3 =	ssub.s32 $0x0, s20;
	[sflag:s22] =	ssyncset.done $0x0  }
0xa0: {  	[sflag:s22] =	ssyncadd.s32 s3;
	_ =	sdelay $0x1  }
0xa1: {  	s23 =	simm.s32 $0x1B8B  }
0xa2: {  	_ =	swait.ge [sflag:s23], $0x1  }
0xa3: {  	[sflag:s23] =	ssyncset.done $0x0  }
0xa4: {  	s25 =	simm.s32 $0x1B8E;
	s24 =	sld [smem:$0x3FFE];
	[sflag:s23] =	ssyncadd.s32 $0xFFFFFFFF  }
0xa5: {  	s26 =	simm.s32 $execute0_lowered;
	[smem:$0x3FD2] =	sst s25  }
0xa6: {  	s4 =	sshll.u32 s26, $0x1;
	_ =	strace $0x80000049;
	[dreg:$0x1] =	wrdreg $0xFFFFFFFF  }
0xa7: {  	s28 =	simm.s32 $_size_execute0_lowered;
	s2 =	sadd.s32 s2, s4;
	[dreg:$0x0] =	wrdreg $0x0  }
0xa8: {  	s4 =	sshll.u32 s28, $0x1;
	[dreg:$0x2] =	wrdreg s2  }
0xa9: {  	[dreg:$0x3] =	wrdreg s4  }
0xaa: {  	[dreg:$0x4] =	wrdreg $0xC0  }
0xab: {  	_ =	task [dreg:s6], $0x5FFFF  }
0xac: {  	[dreg:$0x1] =	wrdreg $0xFFFFFFFF  }
0xad: {  	[dreg:$0x0] =	wrdreg $0x60  }
0xae: {  	[dreg:$0x2] =	wrdreg s24  }
0xaf: {  	[dreg:$0x3] =	wrdreg $0x14B200  }
0xb0: {  	[dreg:$0x4] =	wrdreg $0xFD000  }
0xb1: {  	[dreg:$0x5] =	wrdreg $0x9  }
0xb2: {  	_ =	task.clear_ibuf [dreg:s6], $0x6FFFF;
	_ =	strace $0x90000049  }
0xb3: {  	s29 =	simm.s32 $0x9;
	_ =	strace $0x8000004B  }
0xb4: {  	_ =	swait.ge [sflag:s29], $0x1  }
0xb5: {  	[sflag:s29] =	ssyncadd.s32 $0xFFFFFFFF  }
0xb6: {  	_ =	strace $0x9000004B  }
0xb7: {  	_ =	sfence  }
0xb8: {  	s30 =	sld [smem:$0x0];
	_ =	sdelay $0x2  }
0xb9: {  	s31 =	sshll.u32 s1, $0xD;
	s1 =	sshrl.u32 s1, $0x2  }
0xba: {  	s3 =	sand.u32 $0x4000, s31;
	s1 =	sadd.s32 s1, s30  }
0xbb: {  	s0 =	sor.u32 s3, s0;
	s1 =	sshll.u32 s1, $0x11  }
0xbc: {  	s0 =	sor.u32 s1, s0  }
0xbd: {  	s0 =	sadd.s32 $0x8F2B, s0  }
0xbe: {  	[sflag:s0] =	ssyncadd.remote.s32 $0x1  }
0xbf: {  	_ =	sfence.sel $0xFFFF  }
0xc0: {  	[dreg:$0x0] =	wrdreg $0xFFFFFFFF;
	(pc) =	sbr.abs _section_cstart, $3  }
0xc1: {  	[dreg:$0x1] =	wrdreg $0xFFFFFFFF  }
0xc2: {  	_ =	task.clear_ibuf [dreg:s6], $0x2FFFF;
	_ =	strace $0x9FFFFFFF  }
0xc3: {  	(tm) =	ssettm $0x7FFFFFFF  }
tec
execute0_lowered:
.L_overlay_start_1:
0x0: {  	(tag) =	ssettag $0x1  }
0x1: {  	s8 =	rddreg [dreg:$0x0]  }
0x2: {  	s2 =	rddreg [dreg:$0x1]  }
0x3: {  	s3 =	rddreg [dreg:$0x2]  }
0x4: {  	s0 =	rddreg [dreg:$0x3]  }
0x5: {  	s1 =	stileid.u32;
	s5 =	srdreg.scid;
	s4 =	simm.s32 $0x0  }
0x6: {  	s16 =	simm.s32 $0x4E80;
	s22 =	simm.s32 $0x80;
	s23 =	simm.s32 $0x9D00  }
0x7: {  	s24 =	simm.s32 $0xAD00;
	s25 =	simm.s32 $0x0;
	s12 =	smul.u32 $0x5000, s1  }
0x8: {  	s11 =	sand.u32 $0x1, s5;
	[smem:$0x7FF] =	sst s4;
	s9 =	smul.u32 $0x9D0, s1  }
0x9: {  	s5 =	sadd.s32 $0x5A00, s8;
	s6 =	sadd.s32 $0xF800, s8;
	p4 =	sne.s32 s1, $0xF  }
0xa: {  	p0 =	seq.s32 s1, $0xF;
	s21 =	sadd.s32 $0x4B000, s3;
	s17 =	sshll.u32 s1, $0x6  }
0xb: {  	s7 =	smul.u32 $0x50000, s11;
	_ =	strace $0x8000004A;
	s13 =	ssub.s32 $0x2, s11  }
0xc: {  	p1 =	seq.s32 s11, $0x0;
	s17 =	sor.u32 $0x1C01, s17;
	s21 =	sshrl.u32 s21, $0x3  }
0xd: {  	s9 =	sadd.s32 s9, s8;
	s30 =	sshrl.u32 s13, $0x1;
	p2 =	por !p1, !p4  }
0xe: {  	p3 =	por !p1, !p0;
	s31 =	sshrl.u32 s12, $0x3;
	s20 =	sadd.s32 s12, s3  }
0xf: {  	s7 =	sadd.s32 s12, s7;
	s15 =	ssub.s32 s13, s30;
	p1 =	por !p2, !p2  }
0x10: {  	p2 =	por !p3, !p3;
	p3 =	seq.s32 s11, $0x1;
	s11 =	sadd.s32 s5, s31  }
0x11: {  	s19 =	sshrl.u32 s20, $0x3;
	s10 =	sshrl.u32 s7, $0x3;
	s7 =	sadd.s32 $0x2D200, s8  }
0x12: {  	p4 =	por !p4, !p3;
	s14 =	sadd.s32 s10, s8;
	s8 =	sadd.s32 $0x19600, s9  }
0x13: {  	s9 =	sadd.s32 $0x23400, s9;
	s10 =	sadd.s32 s12, s2;
	p4 =	por !p4, !p4  }
0x14: {  	s12 =	sadd.s32 s6, s31;
	s13 =	sadd.s32 $0x2DC00, s14;
	s14 =	smax.u32 s15, $0x1  }
0x15: {  	s15 =	simm.s32 $0x1;
	s18 =	sshrl.u32 s10, $0x3;
	s20 =	sshrl.u32 @p4 s20, $0x3  }
.LBB2_1:
0x16: {  	[tilespmem:s4], [sflag:$0x1] =	stream.linear.gather [hbm4b:s8+s4], $0x4E80, $0x38;
	[tilespmem:$0x19B20] =	vst v63  }
0x17: {  	_ =	swait.ge [sflag:s15], $0x4E80  }
0x18: {  	[sflag:s15] =	ssyncset.done $0x0  }
0x19: {  	[sflag:s15] =	ssyncadd.s32 $0xFFFFB180  }
0x1a: {  	[tilespmem:s16], [sflag:$0x1] =	stream.linear.gather [hbm4b:s9+s4], $0x4E80, $0x38;
	[tilespmem:$0x19B20] =	vst v63  }
0x1b: {  	_ =	swait.ge [sflag:s15], $0x4E80  }
0x1c: {  	[sflag:s15] =	ssyncset.done $0x0  }
.Ltmp0:
0x1d: {  	[sflag:s15] =	ssyncadd.s32 $0xFFFFB180;
	(pc) =	sbr.rel @!p1 .LBB2_3-.Ltmp0, $4  }
0x1e: {  	[spmem:s18], [sflag:s17] =	dma.local [hbm:s7], $0xA00  }
0x1f: {  	_ =	swait.ge [sflag:s15], $0xA00  }
0x20: {  	[sflag:s15] =	ssyncset.done $0x0  }
0x21: {  	[sflag:s15] =	ssyncadd.s32 $0xFFFFF600  }
.Ltmp1:
0x22: {  	(pc) =	sbr.rel .LBB2_4-.Ltmp1, $4  }
0x23: {  	[spmem:s19], [sflag:s17] =	dma.local [hbm:s11], $0xA00  }
0x24: {  	_ =	swait.ge [sflag:s15], $0xA00  }
0x25: {  	[sflag:s15] =	ssyncset.done $0x0  }
0x26: {  	p5 =	por $0x0, $0x0;
	[sflag:s15] =	ssyncadd.s32 $0xFFFFF600  }
.LBB2_3:
.Ltmp2:
0x27: {  	(pc) =	sbr.rel @p2 .LBB2_5-.Ltmp2, $2  }
0x28: {  	_ =	sdelay $0x2  }
0x29: {  	p5 =	por p0, p0;
	s26 =	smov.u32 s5  }
.LBB2_4:
0x2a: {  	[spmem:s20], [sflag:s17] =	dma.local @p4 [hbm:s12], $0xA00  }
0x2b: {  	p6 =	por @p4 $0x1, $0x1  }
0x2c: {  	p6 =	por @!p4 p3, p3  }
0x2d: {  	p5 =	por !p6, !p5  }
0x2e: {  	p5 =	por !p5, !p5  }
.Ltmp3:
0x2f: {  	_ = 	snop;
	(pc) =	sbr.rel @!p5 .LBB2_6-.Ltmp3, $4  }
0x30: {  	s26 =	simm.s32 @p4 $0x1  }
0x31: {  	_ =	swait.ge @p4 [sflag:s26], $0xA00  }
0x32: {  	[sflag:s26] =	ssyncset.done @p4 $0x0  }
0x33: {  	[sflag:s26] =	ssyncadd.s32 @p4 $0xFFFFF600;
	s26 =	smov.u32 s6  }
.LBB2_5:
0x34: {  	s26 =	sadd.s32 $0x9600, s26  }
0x35: {  	[spmem:s21], [sflag:s17] =	dma.local [hbm:s26], $0x640  }
0x36: {  	_ =	swait.ge [sflag:s15], $0x640  }
0x37: {  	[sflag:s15] =	ssyncset.done $0x0  }
0x38: {  	[sflag:s15] =	ssyncadd.s32 $0xFFFFF9C0  }
.LBB2_6:
0x39: {  	[bflag:$0x0] =	sbarrier.arrive $0xFFFF;
	s26 =	simm.s32 $0x0  }
0x3a: {  	[tilespmem:s23], [sflag:$0x1] =	stream.indirect.gather [spmem:s3], $0x20, s26, s22, $0xb8;
	[tilespmem:$0x19B20] =	vst v63  }
0x3b: {  	_ =	swait.ge [sflag:s15], $0x1000  }
0x3c: {  	[sflag:s15] =	ssyncset.done $0x0  }
0x3d: {  	s31 =	simm.s32 $0x4E80;
	[sflag:s15] =	ssyncadd.s32 $0xFFFFF000  }
0x3e: {  	[spmem:s2] =	stream.indirect.scatter.add.f32 [tilespmem:s23], [sflag:$0x1], $0x20, s31, s22, $0xb8;
	[tilespmem:$0x19B20] =	vst v63  }
0x3f: {  	_ =	swait.ge [sflag:s15], $0x1000  }
0x40: {  	s28 =	simm.s32 $0x400;
	s26 =	simm.s32 $0x200;
	[sflag:s15] =	ssyncset.done $0x0  }
.LBB2_7:
0x41: {  	s29 =	sshra.s32 s26, $0x2  }
0x42: {  	[sflag:s15] =	ssyncadd.s32 $0xFFFFF000;
	s26 =	smov.u32 s28;
	s30 =	sadd.s32 $0x200, s28  }
0x43: {  	[tilespmem:s23], [sflag:$0x1] =	stream.indirect.gather [spmem:s3], $0x20, s29, s22, $0xb8;
	[tilespmem:$0x19B20] =	vst v63  }
0x44: {  	p5 =	sne.s32 s28, $0x13800;
	_ =	swait.ge [sflag:s15], $0x1000  }
.Ltmp4:
0x45: {  	[sflag:s15] =	ssyncset.done $0x0;
	(pc) =	sbr.rel @p5 .LBB2_7-.Ltmp4, $4  }
0x46: {  	s28 =	sadd.s32 $0x4E80, s29;
	[sflag:s15] =	ssyncadd.s32 $0xFFFFF000  }
0x47: {  	[spmem:s2] =	stream.indirect.scatter.add.f32 [tilespmem:s23], [sflag:$0x1], $0x20, s28, s22, $0xb8;
	[tilespmem:$0x19B20] =	vst v63  }
0x48: {  	_ =	swait.ge [sflag:s15], $0x1000  }
0x49: {  	s28 =	smov.u32 s30;
	[sflag:s15] =	ssyncset.done $0x0  }
0x4a: {  	s26 =	sshra.s32 s26, $0x2;
	[sflag:s15] =	ssyncadd.s32 $0xFFFFF000  }
0x4b: {  	[tilespmem:s23], [sflag:$0x1] =	stream.indirect.gather [spmem:s3], $0x20, s26, s22, $0xb8;
	[tilespmem:$0x19B20] =	vst v63  }
0x4c: {  	_ =	swait.ge [sflag:s15], $0x1000  }
0x4d: {  	[sflag:s15] =	ssyncset.done $0x0  }
0x4e: {  	s26 =	sadd.s32 $0x4E80, s26;
	[sflag:s15] =	ssyncadd.s32 $0xFFFFF000  }
0x4f: {  	[spmem:s2] =	stream.indirect.scatter.add.f32 [tilespmem:s23], [sflag:$0x1], $0x20, s26, s22, $0xb8;
	[tilespmem:$0x19B20] =	vst v63  }
0x50: {  	_ =	swait.ge [sflag:s15], $0x1000  }
0x51: {  	[sflag:s15] =	ssyncset.done $0x0  }
0x52: {  	[sflag:s15] =	ssyncadd.s32 $0xFFFFF000  }
0x53: {  	[bflag:$0x0] =	sbarrier.arrive $0xFFFF  }
0x54: {  	[tilespmem:s24], [sflag:$0x1] =	stream.linear.gather [spmem:s10], $0x5000, $0x38;
	[tilespmem:$0x19B20] =	vst v63  }
0x55: {  	s25 =	sadd.s32 $0x1, s25;
	_ =	swait.ge [sflag:s15], $0x5000  }
0x56: {  	p5 =	sne.s32 s25, s14;
	[sflag:s15] =	ssyncset.done $0x0  }
.Ltmp5:
0x57: {  	[sflag:s15] =	ssyncadd.s32 $0xFFFFB000;
	(pc) =	sbr.rel @p5 .LBB2_1-.Ltmp5, $4  }
0x58: {  	[hbm4b:s13+s4] =	stream.linear.scatter [tilespmem:s24], [sflag:$0x1], $0x5000, $0x38;
	[tilespmem:$0x19B20] =	vst v63  }
0x59: {  	_ =	swait.ge [sflag:s15], $0x5000  }
0x5a: {  	[sflag:s15] =	ssyncset.done $0x0  }
0x5b: {  	[sflag:s15] =	ssyncadd.s32 $0xFFFFB000  }
0x5c: {  	_ =	sfence.sel $0x180000  }
0x5d: {  	[bflag:$0x0] =	sbarrier.arrive $0xFFFF  }
0x5e: {  	p0 =	sne.s32 s1, $0x0;
	_ =	strace $0x9000004A  }
0x5f: {  	s0 =	sadd.s32 @!p0 $0x100000, s0;
	[bflag:$0x2] =	sbarrier.arrive $0xFFFF  }
0x60: {  	[sflag:s0] =	ssyncadd.tile.s32 @!p0 $0x1;
	_ =	shalt  }
.Lfunc_end2:
_tile_overlayer_lowered:
.L_overlay_start_2:
0x61: {  	(tag) =	ssettag $0x2  }
0x62: {  	s0 =	rddreg [dreg:$0x0];
	s2 =	stileid.u32  }
0x63: {  	s1 =	rddreg [dreg:$0x1];
	p0 =	sne.s32 s2, $0x0  }
0x64: {  	s3 =	rddreg [dreg:$0x2];
	[bflag:$0x3] =	sbarrier.arrive $0xFFFF;
	s2 =	simm.s32 @!p0 $0x1C01  }
0x65: {  	[timem:s3], [sflag:s2] =	dma.local @!p0 [hbm:s0], s1  }
0x66: {  	s0 =	simm.s32 @!p0 $0x1  }
0x67: {  	_ =	swait.ge @!p0 [sflag:s0], s1  }
0x68: {  	s1 =	ssub.s32 @!p0 $0x0, s1;
	[sflag:s0] =	ssyncset.done @!p0 $0x0  }
0x69: {  	[sflag:s0] =	ssyncadd.s32 @!p0 s1  }
0x6a: {  	[bflag:$0x3] =	sbarrier.arrive $0xFFFF  }
0x6b: {  	_ =	shalt  }

// kernel: kernel.16.cloned.1.call-start
scs
__scs_entry_jumppad:
0x0: {  	(pc) =	sbr.rel $0x88, $3  }
0x1: {  	(tag) =	ssettag $0x0;
	lr =	simm.s32 $0x1  }
0x2: {  	[smem:$0x3F82] =	sst lr;
	_ =	strace $0xD0000000  }
0x3: {  	_ = 	snop  }
0x4: {  	_ = 	snop  }
0x5: {  	_ = 	snop  }
0x6: {  	_ = 	snop  }
0x7: {  	_ = 	snop  }
__scs_overlays_trampoline_lowered:
0x8: {  	[smem:$0x3F91] =	sst s0  }
0x9: {  	[smem:$0x3F92] =	sst s1  }
0xa: {  	[smem:$0x3F93] =	sst s2  }
0xb: {  	[smem:$0x3F94] =	sst s3  }
0xc: {  	[smem:$0x3F95] =	sst s4  }
0xd: {  	[smem:$0x3F96] =	sst s5  }
0xe: {  	[smem:$0x3F97] =	sst s6  }
0xf: {  	[smem:$0x3F98] =	sst s7  }
0x10: {  	[smem:$0x3F99] =	sst s8  }
0x11: {  	[smem:$0x3F9A] =	sst s9;
	s0 =	simm.s32 @!p0 $0x0  }
0x12: {  	s1 =	sld [smem:$0x3F80];
	s0 =	simm.s32 @p0 $0x1  }
0x13: {  	[smem:$0x3F9B] =	sst s0;
	s0 =	simm.s32 @!p1 $0x0  }
0x14: {  	s2 =	sld [smem:$0x3F7F];
	s0 =	simm.s32 @p1 $0x1  }
0x15: {  	[smem:$0x3F9C] =	sst s0;
	s0 =	simm.s32 @!p2 $0x0  }
0x16: {  	s3 =	sld [smem:$0x3FDB];
	s0 =	simm.s32 @p2 $0x1  }
0x17: {  	s4 =	simm.s32 $0x1BF5;
	[smem:$0x3F9E] =	sst s0  }
0x18: {  	s0 =	sld [smem:$0x3F81];
	_ =	swait.ge [sflag:s4], $0x0  }
0x19: {  	s7 =	sld [smem:$0x3F82]  }
0x1a: {  	s8 =	sadd.s32 $0xFFFFE003, lr  }
0x1b: {  	s9 =	sadd.s32 $0xFFFFFEF7, lr;
	s5 =	simm.s32 $0xFFFFFFFF;
	p2 =	slt.u32 s8, $0xFFFFF086  }
0x1c: {  	p1 =	slt.u32 s9, $0xF7A;
	s5 =	simm.s32 @!p2 $0x0  }
0x1d: {  	s5 =	simm.s32 @p1 $0x1;
	p0 =	seq.s32 s7, s2  }
0x1e: {  	s7 =	smul.u32 @!p0 $0xF7A, s2;
	p2 =	seq.s32 @!p0 s5, $0x0  }
0x1f: {  	s9 =	smul.u32 $0xF7A, s1;
	s8 =	simm.s32 @!p0 $0x1BF5;
	p2 =	por !p2, p0  }
0x20: {  	[sflag:s8] =	ssyncset.s32 @!p0 $0xFFFFF086;
	s6 =	sadd.s32 @!p0 s3, s7;
	s7 =	simm.s32 @!p0 $0x108  }
0x21: {  	s3 =	sadd.s32 s3, s9;
	s6 =	sadd.s32 @!p0 $0x88, s6;
	s7 =	simm.s32 @p2 $0x1082  }
0x22: {  	[simem:s7], [sflag:s8] =	dma.local @!p0 [hbm:s6], $0xF7A  }
0x23: {  	s9 =	sor.u32 $0xD0000000, s2;
	s6 =	simm.s32 $0x108;
	_ =	swait.ge @!p0 [sflag:s8], $0x0  }
0x24: {  	s3 =	sadd.s32 $0x88, s3;
	s6 =	simm.s32 @!p1 $0x1082;
	[sflag:s4] =	ssyncset.s32 $0xFFFFF086  }
0x25: {  	[simem:s6], [sflag:s4] =	dma.local [hbm:s3], $0xF7A  }
0x26: {  	[smem:$0x3F82] =	sst s1;
	(tag) =	ssettag s2;
	_ =	strace s9  }
0x27: {  	s1 =	sld [smem:$0x3F92]  }
0x28: {  	s2 =	sld [smem:$0x3F93]  }
0x29: {  	s4 =	sld [smem:$0x3F95]  }
0x2a: {  	p0 =	seq.s32 s5, $0x0;
	s5 =	sld [smem:$0x3F96]  }
0x2b: {  	s6 =	sld [smem:$0x3F97]  }
0x2c: {  	s7 =	sld [smem:$0x3F98]  }
0x2d: {  	s3 =	simm.s32 $0x108;
	s8 =	sld [smem:$0x3F99]  }
0x2e: {  	s3 =	simm.s32 @!p0 $0x1082;
	s9 =	sld [smem:$0x3F9A]  }
0x2f: {  	lr =	sadd.s32 s0, s3;
	s0 =	sld [smem:$0x3F91]  }
0x30: {  	s3 =	sld [smem:$0x3F94]  }
0x31: {  	[smem:$0x3F9D] =	sst s10  }
0x32: {  	s10 =	sld [smem:$0x3F9B];
	_ =	sdelay $0x3  }
0x33: {  	p0 =	seq.s32 s10, $0x1;
	s10 =	sld [smem:$0x3F9D];
	_ =	sdelay $0x3  }
0x34: {  	[smem:$0x3F9D] =	sst s10  }
0x35: {  	s10 =	sld [smem:$0x3F9C];
	_ =	sdelay $0x3  }
0x36: {  	p1 =	seq.s32 s10, $0x1;
	s10 =	sld [smem:$0x3F9D];
	_ =	sdelay $0x3  }
0x37: {  	[smem:$0x3F9D] =	sst s10  }
0x38: {  	s10 =	sld [smem:$0x3F9E]  }
0x39: {  	_ = 	snop;
	(pc) =	sbr.ind lr, $3  }
0x3a: {  	_ = 	snop  }
0x3b: {  	_ = 	snop  }
0x3c: {  	p2 =	seq.s32 s10, $0x1;
	s10 =	sld [smem:$0x3F9D]  }
0x3d: {  	_ =	shalt  }
0x3e: {  	_ =	shalt  }
0x3f: {  	_ =	shalt  }
0x40: {  	_ =	shalt  }
0x41: {  	_ =	shalt  }
0x42: {  	_ =	shalt  }
0x43: {  	_ =	shalt  }
0x44: {  	_ =	shalt  }
0x45: {  	_ =	shalt  }
0x46: {  	_ =	shalt  }
0x47: {  	_ =	shalt  }
0x48: {  	_ =	shalt  }
0x49: {  	_ =	shalt  }
0x4a: {  	_ =	shalt  }
0x4b: {  	_ =	shalt  }
0x4c: {  	_ =	shalt  }
0x4d: {  	_ =	shalt  }
0x4e: {  	_ =	shalt  }
0x4f: {  	_ =	shalt  }
0x50: {  	_ =	shalt  }
0x51: {  	_ =	shalt  }
0x52: {  	_ =	shalt  }
0x53: {  	_ =	shalt  }
0x54: {  	_ =	shalt  }
0x55: {  	_ =	shalt  }
0x56: {  	_ =	shalt  }
0x57: {  	_ =	shalt  }
0x58: {  	_ =	shalt  }
0x59: {  	_ =	shalt  }
0x5a: {  	_ =	shalt  }
0x5b: {  	_ =	shalt  }
0x5c: {  	_ =	shalt  }
0x5d: {  	_ =	shalt  }
0x5e: {  	_ =	shalt  }
0x5f: {  	_ =	shalt  }
0x60: {  	_ =	shalt  }
0x61: {  	_ =	shalt  }
0x62: {  	_ =	shalt  }
0x63: {  	_ =	shalt  }
0x64: {  	_ =	shalt  }
0x65: {  	_ =	shalt  }
0x66: {  	_ =	shalt  }
0x67: {  	_ =	shalt  }
0x68: {  	_ =	shalt  }
0x69: {  	_ =	shalt  }
0x6a: {  	_ =	shalt  }
0x6b: {  	_ =	shalt  }
0x6c: {  	_ =	shalt  }
0x6d: {  	_ =	shalt  }
0x6e: {  	_ =	shalt  }
0x6f: {  	_ =	shalt  }
0x70: {  	_ =	shalt  }
0x71: {  	_ =	shalt  }
0x72: {  	_ =	shalt  }
0x73: {  	_ =	shalt  }
0x74: {  	_ =	shalt  }
0x75: {  	_ =	shalt  }
0x76: {  	_ =	shalt  }
0x77: {  	_ =	shalt  }
0x78: {  	_ =	shalt  }
0x79: {  	_ =	shalt  }
0x7a: {  	_ =	shalt  }
0x7b: {  	_ =	shalt  }
0x7c: {  	_ =	shalt  }
0x7d: {  	_ =	shalt  }
0x7e: {  	_ =	shalt  }
0x7f: {  	_ =	shalt  }
0x80: {  	_ =	shalt  }
0x81: {  	_ =	shalt  }
0x82: {  	_ =	shalt  }
0x83: {  	_ =	shalt  }
0x84: {  	_ =	shalt  }
0x85: {  	_ =	shalt  }
0x86: {  	_ =	shalt  }
0x87: {  	_ =	shalt  }
.Lfunc_end0:
.L_simem_size_0:
called_computation.2_lowered:
.L_overlay_start_0:
0x88: {  	s2 =	sld [smem:$0x3FD9]  }
0x89: {  	s3 =	sld [smem:$0x3FFE];
	_ =	sdelay $0x1  }
0x8a: {  	s1 =	srdreg.scid  }
0x8b: {  	s0 =	sand.u32 $0x1, s1  }
0x8c: {  	s16 =	sshll.u32 s0, $0xA;
	s2 =	sadd.s32 s3, s2  }
0x8d: {  	s2 =	sadd.s32 s2, s16  }
0x8e: {  	[smem:$0x3FA9] =	sst s2  }
0x8f: {  	_ = 	snop  }
0x90: {  	(tm) =	ssettm $0x1  }
0x91: {  	s17 =	sld [smem:$0x3FFB];
	_ =	sdelay $0x3  }
0x92: {  	_ =	strace s17  }
0x93: {  	s2 =	sld [smem:$0x3FFC];
	_ =	sdelay $0x3  }
0x94: {  	_ =	strace s2  }
0x95: {  	s2 =	sld [smem:$0x3FFD];
	_ =	sdelay $0x3  }
0x96: {  	_ =	strace s2  }
0x97: {  	_ =	strace $0x8FFFFFFF  }
0x98: {  	s18 =	sld [smem:$0x3FDB];
	_ =	sdelay $0x1  }
0x99: {  	s19 =	simm.s32 $_scs_section_size  }
0x9a: {  	s4 =	simm.s32 $_size__tile_overlayer_lowered;
	s5 =	simm.s32 $_tile_overlayer_lowered  }
0x9b: {  	s22 =	simm.s32 $0x1BFF;
	s21 =	sshll.u32 s5, $0x1;
	s2 =	sadd.s32 s19, s18  }
0x9c: {  	s6 =	simm.s32 $0x0;
	s20 =	sshll.u32 s4, $0x1;
	s4 =	sadd.s32 s21, s2  }
0x9d: {  	[timem:s6], [sflag:s22] =	dma.local [hbm:s4], s20  }
0x9e: {  	_ =	swait.ge [sflag:s22], s20  }
0x9f: {  	s3 =	ssub.s32 $0x0, s20;
	[sflag:s22] =	ssyncset.done $0x0  }
0xa0: {  	[sflag:s22] =	ssyncadd.s32 s3;
	_ =	sdelay $0x1  }
0xa1: {  	s23 =	simm.s32 $0x1B8B  }
0xa2: {  	_ =	swait.ge [sflag:s23], $0x1  }
0xa3: {  	[sflag:s23] =	ssyncset.done $0x0  }
0xa4: {  	s25 =	simm.s32 $0x1B8E;
	s24 =	sld [smem:$0x3FFE];
	[sflag:s23] =	ssyncadd.s32 $0xFFFFFFFF  }
0xa5: {  	s26 =	simm.s32 $execute0_lowered;
	[smem:$0x3FD2] =	sst s25  }
0xa6: {  	s4 =	sshll.u32 s26, $0x1;
	_ =	strace $0x8000004C;
	[dreg:$0x1] =	wrdreg $0xFFFFFFFF  }
0xa7: {  	s28 =	simm.s32 $_size_execute0_lowered;
	s2 =	sadd.s32 s2, s4;
	[dreg:$0x0] =	wrdreg $0x0  }
0xa8: {  	s4 =	sshll.u32 s28, $0x1;
	[dreg:$0x2] =	wrdreg s2  }
0xa9: {  	[dreg:$0x3] =	wrdreg s4  }
0xaa: {  	[dreg:$0x4] =	wrdreg $0xC0  }
0xab: {  	_ =	task [dreg:s6], $0x5FFFF  }
0xac: {  	[dreg:$0x1] =	wrdreg $0xFFFFFFFF  }
0xad: {  	[dreg:$0x0] =	wrdreg $0x60  }
0xae: {  	[dreg:$0x2] =	wrdreg s24  }
0xaf: {  	[dreg:$0x3] =	wrdreg $0x14B200  }
0xb0: {  	[dreg:$0x4] =	wrdreg $0xFD000  }
0xb1: {  	[dreg:$0x5] =	wrdreg $0x9  }
0xb2: {  	_ =	task.clear_ibuf [dreg:s6], $0x6FFFF;
	_ =	strace $0x9000004C  }
0xb3: {  	s29 =	simm.s32 $0x9;
	_ =	strace $0x8000004E  }
0xb4: {  	_ =	swait.ge [sflag:s29], $0x1  }
0xb5: {  	[sflag:s29] =	ssyncadd.s32 $0xFFFFFFFF  }
0xb6: {  	_ =	strace $0x9000004E  }
0xb7: {  	_ =	sfence  }
0xb8: {  	s30 =	sld [smem:$0x0];
	_ =	sdelay $0x2  }
0xb9: {  	s31 =	sshll.u32 s1, $0xD;
	s1 =	sshrl.u32 s1, $0x2  }
0xba: {  	s3 =	sand.u32 $0x4000, s31;
	s1 =	sadd.s32 s1, s30  }
0xbb: {  	s0 =	sor.u32 s3, s0;
	s1 =	sshll.u32 s1, $0x11  }
0xbc: {  	s0 =	sor.u32 s1, s0  }
0xbd: {  	s0 =	sadd.s32 $0x8F2B, s0  }
0xbe: {  	[sflag:s0] =	ssyncadd.remote.s32 $0x1  }
0xbf: {  	_ =	sfence.sel $0xFFFF  }
0xc0: {  	[dreg:$0x0] =	wrdreg $0xFFFFFFFF;
	(pc) =	sbr.abs _section_cstart, $3  }
0xc1: {  	[dreg:$0x1] =	wrdreg $0xFFFFFFFF  }
0xc2: {  	_ =	task.clear_ibuf [dreg:s6], $0x2FFFF;
	_ =	strace $0x9FFFFFFF  }
0xc3: {  	(tm) =	ssettm $0x7FFFFFFF  }
tec
execute0_lowered:
.L_overlay_start_1:
0x0: {  	(tag) =	ssettag $0x1  }
0x1: {  	s8 =	rddreg [dreg:$0x0]  }
0x2: {  	s2 =	rddreg [dreg:$0x1]  }
0x3: {  	s3 =	rddreg [dreg:$0x2]  }
0x4: {  	s0 =	rddreg [dreg:$0x3]  }
0x5: {  	s1 =	stileid.u32;
	s5 =	srdreg.scid;
	s4 =	simm.s32 $0x0  }
0x6: {  	s16 =	simm.s32 $0x4E80;
	s22 =	simm.s32 $0x80;
	s23 =	simm.s32 $0x9D00  }
0x7: {  	s24 =	simm.s32 $0xAD00;
	s25 =	simm.s32 $0x0;
	s12 =	smul.u32 $0x5000, s1  }
0x8: {  	s11 =	sand.u32 $0x1, s5;
	[smem:$0x7FF] =	sst s4;
	s9 =	smul.u32 $0x9D0, s1  }
0x9: {  	s5 =	sadd.s32 $0x5A00, s8;
	s6 =	sadd.s32 $0xF800, s8;
	p4 =	sne.s32 s1, $0xF  }
0xa: {  	p0 =	seq.s32 s1, $0xF;
	s21 =	sadd.s32 $0x4B000, s3;
	s17 =	sshll.u32 s1, $0x6  }
0xb: {  	s7 =	smul.u32 $0x50000, s11;
	_ =	strace $0x8000004D;
	s13 =	ssub.s32 $0x2, s11  }
0xc: {  	p1 =	seq.s32 s11, $0x0;
	s17 =	sor.u32 $0x1C01, s17;
	s21 =	sshrl.u32 s21, $0x3  }
0xd: {  	s9 =	sadd.s32 s9, s8;
	s30 =	sshrl.u32 s13, $0x1;
	p2 =	por !p1, !p4  }
0xe: {  	p3 =	por !p1, !p0;
	s31 =	sshrl.u32 s12, $0x3;
	s20 =	sadd.s32 s12, s3  }
0xf: {  	s7 =	sadd.s32 s12, s7;
	s15 =	ssub.s32 s13, s30;
	p1 =	por !p2, !p2  }
0x10: {  	p2 =	por !p3, !p3;
	p3 =	seq.s32 s11, $0x1;
	s11 =	sadd.s32 s5, s31  }
0x11: {  	s19 =	sshrl.u32 s20, $0x3;
	s10 =	sshrl.u32 s7, $0x3;
	s7 =	sadd.s32 $0x2D200, s8  }
0x12: {  	p4 =	por !p4, !p3;
	s14 =	sadd.s32 s10, s8;
	s8 =	sadd.s32 $0x19600, s9  }
0x13: {  	s9 =	sadd.s32 $0x23400, s9;
	s10 =	sadd.s32 s12, s2;
	p4 =	por !p4, !p4  }
0x14: {  	s12 =	sadd.s32 s6, s31;
	s13 =	sadd.s32 $0x2DC00, s14;
	s14 =	smax.u32 s15, $0x1  }
0x15: {  	s15 =	simm.s32 $0x1;
	s18 =	sshrl.u32 s10, $0x3;
	s20 =	sshrl.u32 @p4 s20, $0x3  }
.LBB2_1:
0x16: {  	[tilespmem:s4], [sflag:$0x1] =	stream.linear.gather [hbm4b:s8+s4], $0x4E80, $0x38;
	[tilespmem:$0x19B20] =	vst v63  }
0x17: {  	_ =	swait.ge [sflag:s15], $0x4E80  }
0x18: {  	[sflag:s15] =	ssyncset.done $0x0  }
0x19: {  	[sflag:s15] =	ssyncadd.s32 $0xFFFFB180  }
0x1a: {  	[tilespmem:s16], [sflag:$0x1] =	stream.linear.gather [hbm4b:s9+s4], $0x4E80, $0x38;
	[tilespmem:$0x19B20] =	vst v63  }
0x1b: {  	_ =	swait.ge [sflag:s15], $0x4E80  }
0x1c: {  	[sflag:s15] =	ssyncset.done $0x0  }
.Ltmp0:
0x1d: {  	[sflag:s15] =	ssyncadd.s32 $0xFFFFB180;
	(pc) =	sbr.rel @!p1 .LBB2_3-.Ltmp0, $4  }
0x1e: {  	[spmem:s18], [sflag:s17] =	dma.local [hbm:s7], $0xA00  }
0x1f: {  	_ =	swait.ge [sflag:s15], $0xA00  }
0x20: {  	[sflag:s15] =	ssyncset.done $0x0  }
0x21: {  	[sflag:s15] =	ssyncadd.s32 $0xFFFFF600  }
.Ltmp1:
0x22: {  	(pc) =	sbr.rel .LBB2_4-.Ltmp1, $4  }
0x23: {  	[spmem:s19], [sflag:s17] =	dma.local [hbm:s11], $0xA00  }
0x24: {  	_ =	swait.ge [sflag:s15], $0xA00  }
0x25: {  	[sflag:s15] =	ssyncset.done $0x0  }
0x26: {  	p5 =	por $0x0, $0x0;
	[sflag:s15] =	ssyncadd.s32 $0xFFFFF600  }
.LBB2_3:
.Ltmp2:
0x27: {  	(pc) =	sbr.rel @p2 .LBB2_5-.Ltmp2, $2  }
0x28: {  	_ =	sdelay $0x2  }
0x29: {  	p5 =	por p0, p0;
	s26 =	smov.u32 s5  }
.LBB2_4:
0x2a: {  	[spmem:s20], [sflag:s17] =	dma.local @p4 [hbm:s12], $0xA00  }
0x2b: {  	p6 =	por @p4 $0x1, $0x1  }
0x2c: {  	p6 =	por @!p4 p3, p3  }
0x2d: {  	p5 =	por !p6, !p5  }
0x2e: {  	p5 =	por !p5, !p5  }
.Ltmp3:
0x2f: {  	_ = 	snop;
	(pc) =	sbr.rel @!p5 .LBB2_6-.Ltmp3, $4  }
0x30: {  	s26 =	simm.s32 @p4 $0x1  }
0x31: {  	_ =	swait.ge @p4 [sflag:s26], $0xA00  }
0x32: {  	[sflag:s26] =	ssyncset.done @p4 $0x0  }
0x33: {  	[sflag:s26] =	ssyncadd.s32 @p4 $0xFFFFF600;
	s26 =	smov.u32 s6  }
.LBB2_5:
0x34: {  	s26 =	sadd.s32 $0x9600, s26  }
0x35: {  	[spmem:s21], [sflag:s17] =	dma.local [hbm:s26], $0x640  }
0x36: {  	_ =	swait.ge [sflag:s15], $0x640  }
0x37: {  	[sflag:s15] =	ssyncset.done $0x0  }
0x38: {  	[sflag:s15] =	ssyncadd.s32 $0xFFFFF9C0  }
.LBB2_6:
0x39: {  	[bflag:$0x0] =	sbarrier.arrive $0xFFFF;
	s26 =	simm.s32 $0x0  }
0x3a: {  	[tilespmem:s23], [sflag:$0x1] =	stream.indirect.gather [spmem:s3], $0x20, s26, s22, $0xb8;
	[tilespmem:$0x19B20] =	vst v63  }
0x3b: {  	_ =	swait.ge [sflag:s15], $0x1000  }
0x3c: {  	[sflag:s15] =	ssyncset.done $0x0  }
0x3d: {  	s31 =	simm.s32 $0x4E80;
	[sflag:s15] =	ssyncadd.s32 $0xFFFFF000  }
0x3e: {  	[spmem:s2] =	stream.indirect.scatter.add.f32 [tilespmem:s23], [sflag:$0x1], $0x20, s31, s22, $0xb8;
	[tilespmem:$0x19B20] =	vst v63  }
0x3f: {  	_ =	swait.ge [sflag:s15], $0x1000  }
0x40: {  	s28 =	simm.s32 $0x400;
	s26 =	simm.s32 $0x200;
	[sflag:s15] =	ssyncset.done $0x0  }
.LBB2_7:
0x41: {  	s29 =	sshra.s32 s26, $0x2  }
0x42: {  	[sflag:s15] =	ssyncadd.s32 $0xFFFFF000;
	s26 =	smov.u32 s28;
	s30 =	sadd.s32 $0x200, s28  }
0x43: {  	[tilespmem:s23], [sflag:$0x1] =	stream.indirect.gather [spmem:s3], $0x20, s29, s22, $0xb8;
	[tilespmem:$0x19B20] =	vst v63  }
0x44: {  	p5 =	sne.s32 s28, $0x13800;
	_ =	swait.ge [sflag:s15], $0x1000  }
.Ltmp4:
0x45: {  	[sflag:s15] =	ssyncset.done $0x0;
	(pc) =	sbr.rel @p5 .LBB2_7-.Ltmp4, $4  }
0x46: {  	s28 =	sadd.s32 $0x4E80, s29;
	[sflag:s15] =	ssyncadd.s32 $0xFFFFF000  }
0x47: {  	[spmem:s2] =	stream.indirect.scatter.add.f32 [tilespmem:s23], [sflag:$0x1], $0x20, s28, s22, $0xb8;
	[tilespmem:$0x19B20] =	vst v63  }
0x48: {  	_ =	swait.ge [sflag:s15], $0x1000  }
0x49: {  	s28 =	smov.u32 s30;
	[sflag:s15] =	ssyncset.done $0x0  }
0x4a: {  	s26 =	sshra.s32 s26, $0x2;
	[sflag:s15] =	ssyncadd.s32 $0xFFFFF000  }
0x4b: {  	[tilespmem:s23], [sflag:$0x1] =	stream.indirect.gather [spmem:s3], $0x20, s26, s22, $0xb8;
	[tilespmem:$0x19B20] =	vst v63  }
0x4c: {  	_ =	swait.ge [sflag:s15], $0x1000  }
0x4d: {  	[sflag:s15] =	ssyncset.done $0x0  }
0x4e: {  	s26 =	sadd.s32 $0x4E80, s26;
	[sflag:s15] =	ssyncadd.s32 $0xFFFFF000  }
0x4f: {  	[spmem:s2] =	stream.indirect.scatter.add.f32 [tilespmem:s23], [sflag:$0x1], $0x20, s26, s22, $0xb8;
	[tilespmem:$0x19B20] =	vst v63  }
0x50: {  	_ =	swait.ge [sflag:s15], $0x1000  }
0x51: {  	[sflag:s15] =	ssyncset.done $0x0  }
0x52: {  	[sflag:s15] =	ssyncadd.s32 $0xFFFFF000  }
0x53: {  	[bflag:$0x0] =	sbarrier.arrive $0xFFFF  }
0x54: {  	[tilespmem:s24], [sflag:$0x1] =	stream.linear.gather [spmem:s10], $0x5000, $0x38;
	[tilespmem:$0x19B20] =	vst v63  }
0x55: {  	s25 =	sadd.s32 $0x1, s25;
	_ =	swait.ge [sflag:s15], $0x5000  }
0x56: {  	p5 =	sne.s32 s25, s14;
	[sflag:s15] =	ssyncset.done $0x0  }
.Ltmp5:
0x57: {  	[sflag:s15] =	ssyncadd.s32 $0xFFFFB000;
	(pc) =	sbr.rel @p5 .LBB2_1-.Ltmp5, $4  }
0x58: {  	[hbm4b:s13+s4] =	stream.linear.scatter [tilespmem:s24], [sflag:$0x1], $0x5000, $0x38;
	[tilespmem:$0x19B20] =	vst v63  }
0x59: {  	_ =	swait.ge [sflag:s15], $0x5000  }
0x5a: {  	[sflag:s15] =	ssyncset.done $0x0  }
0x5b: {  	[sflag:s15] =	ssyncadd.s32 $0xFFFFB000  }
0x5c: {  	_ =	sfence.sel $0x180000  }
0x5d: {  	[bflag:$0x0] =	sbarrier.arrive $0xFFFF  }
0x5e: {  	p0 =	sne.s32 s1, $0x0;
	_ =	strace $0x9000004D  }
0x5f: {  	s0 =	sadd.s32 @!p0 $0x100000, s0;
	[bflag:$0x2] =	sbarrier.arrive $0xFFFF  }
0x60: {  	[sflag:s0] =	ssyncadd.tile.s32 @!p0 $0x1;
	_ =	shalt  }
.Lfunc_end2:
_tile_overlayer_lowered:
.L_overlay_start_2:
0x61: {  	(tag) =	ssettag $0x2  }
0x62: {  	s0 =	rddreg [dreg:$0x0];
	s2 =	stileid.u32  }
0x63: {  	s1 =	rddreg [dreg:$0x1];
	p0 =	sne.s32 s2, $0x0  }
0x64: {  	s3 =	rddreg [dreg:$0x2];
	[bflag:$0x3] =	sbarrier.arrive $0xFFFF;
	s2 =	simm.s32 @!p0 $0x1C01  }
0x65: {  	[timem:s3], [sflag:s2] =	dma.local @!p0 [hbm:s0], s1  }
0x66: {  	s0 =	simm.s32 @!p0 $0x1  }
0x67: {  	_ =	swait.ge @!p0 [sflag:s0], s1  }
0x68: {  	s1 =	ssub.s32 @!p0 $0x0, s1;
	[sflag:s0] =	ssyncset.done @!p0 $0x0  }
0x69: {  	[sflag:s0] =	ssyncadd.s32 @!p0 s1  }
0x6a: {  	[bflag:$0x3] =	sbarrier.arrive $0xFFFF  }
0x6b: {  	_ =	shalt  }

</sc_bundles>
